<compile_context>
chip_gen: v7x
topology: tpu7x:2x2x1
jax: 0.10.2.dev20260603
libtpu: 0.0.44.dev20260713+nightly
codegen_flags: <defaults>
</compile_context>

<pallas_src>
import functools

import jax
import jax.numpy as jnp
from jax import lax
from jax.experimental import pallas as pl
from jax.experimental.pallas import tpu as pltpu
from jax.experimental.pallas import tpu_sc as plsc

_PAD_D = 8
_NUM_WORKERS = 32
_IDX_CHUNK = 128
_ROW_BLOCK = 512


def _full16(v):
    return jnp.full((16,), v, jnp.int32)


def _sc_gather_components(table, idx_t):
    e_total = idx_t.shape[1]
    e_per_w = e_total // _NUM_WORKERS
    rows_per_w = 4 * e_per_w
    chunks = e_per_w // _IDX_CHUNK
    lane_grp = e_per_w // 128
    mesh = plsc.VectorSubcoreMesh(core_axis_name="c", subcore_axis_name="s")

    @functools.partial(
        pl.kernel,
        mesh=mesh,
        out_type=jax.ShapeDtypeStruct((12, e_total // 128, 128), jnp.float32),
        compiler_params=pltpu.CompilerParams(
            use_tc_tiling_on_sc=False, needs_layout_passes=False),
        scratch_types=[
            pltpu.VMEM((4, e_per_w), jnp.int32),
            pltpu.VMEM((rows_per_w, _PAD_D), jnp.float32),
            pltpu.VMEM((12, lane_grp, 128), jnp.float32),
            pltpu.SemaphoreType.DMA,
        ],
    )
    def gather_kernel(table_hbm, idx_hbm, out_hbm, idx_v, rows_v, comp_v, sem):
        wid = lax.axis_index("s") * 2 + lax.axis_index("c")
        base_e = wid * e_per_w
        for f in range(4):
            pltpu.sync_copy(idx_hbm.at[f, pl.ds(base_e, e_per_w)],
                            idx_v.at[f])
        copies = []
        for f in range(4):
            for c in range(4):
                copies.append(
                    pltpu.async_copy(
                        table_hbm.at[idx_v.at[f, pl.ds(c * _IDX_CHUNK,
                                                       _IDX_CHUNK)]],
                        rows_v.at[pl.ds((f * chunks + c) * _IDX_CHUNK,
                                        _IDX_CHUNK)],
                        sem,
                    )
                )
        for cp in copies:
            cp.wait()

        iot = lax.iota(jnp.int32, 16)
        for j4 in range(lane_grp):
            @pl.loop(0, 128, step=16)
            def _(m, j4=j4):
                g = j4 * 128 + m
                for f in range(4):
                    ridx = iot + (f * e_per_w + g)
                    for t in range(3):
                        comp_v[f * 3 + t, j4, pl.ds(m, 16)] = plsc.load_gather(
                            rows_v, [ridx, _full16(t)])

        pltpu.sync_copy(
            comp_v, out_hbm.at[:, pl.ds(wid * lane_grp, lane_grp), :])

    return gather_kernel(table, idx_t)


def _elastic_sum(c_ref, p_ref, meas_ref, lam_ref, mu_ref):
    a = [c_ref[i] for i in range(12)]
    b = [p_ref[i] for i in range(16)]
    f_mat = [[None] * 3 for _ in range(3)]
    for t in range(3):
        for l in range(3):
            acc = a[0 * 3 + t] * b[0 * 4 + l]
            for f in range(1, 4):
                acc += a[f * 3 + t] * b[f * 4 + l]
            f_mat[t][l] = acc
    ic = f_mat[0][0] * f_mat[0][0]
    for t in range(3):
        for l in range(3):
            if t or l:
                ic += f_mat[t][l] * f_mat[t][l]
    det = (
        f_mat[0][0] * (f_mat[1][1] * f_mat[2][2] - f_mat[1][2] * f_mat[2][1])
        - f_mat[0][1] * (f_mat[1][0] * f_mat[2][2] - f_mat[1][2] * f_mat[2][0])
        + f_mat[0][2] * (f_mat[1][0] * f_mat[2][1] - f_mat[1][1] * f_mat[2][0])
    )
    meas, lam_v, mu_v = meas_ref[...], lam_ref[...], mu_ref[...]
    alpha = 0.75 * mu_v / lam_v + 1.0
    ic_ver = jnp.maximum(ic + 1.0, 0.0) + 1e-30
    dens = (
        0.5 * mu_v * (ic - 3.0)
        + 0.5 * lam_v * (det - alpha) ** 2
        - 0.5 * mu_v * jnp.log(ic_ver)
    )
    return jnp.sum(dens * meas)


def _fused_body(m_ref, dt_ref, dn_ref, comp_ref, poly_ref, meas_ref,
                lam_ref, mu_ref, coeff_ref, out_ref):
    i = pl.program_id(0)

    @pl.when(i == 0)
    def _():
        out_ref[0, 0] = 0.0

    m = m_ref[...]
    acc = jnp.float32(0.0)
    for k in range(3):
        s = jnp.sum(m * dt_ref[k : k + 1, :], axis=1, keepdims=True)
        acc += jnp.sum(s * dn_ref[:, k : k + 1])
    out_ref[0, 0] += acc * coeff_ref[0, 0]

    @pl.when(i == pl.num_programs(0) - 1)
    def _():
        out_ref[0, 0] += _elastic_sum(comp_ref, poly_ref, meas_ref,
                                      lam_ref, mu_ref)


def kernel(position, time_step, state_position, velocity,
           external_acceleration, int_density_matrix, elements, polynomials,
           measure, lam, mu):
    n = position.shape[0]
    e = elements.shape[0]
    eb = e // 128
    f32 = jnp.float32
    dt = jnp.asarray(time_step, f32)
    coeff = (0.5 / (dt * dt)).astype(f32).reshape(1, 1)

    table = jnp.pad(position, ((0, 0), (0, _PAD_D - 3)))
    idx_t = elements.T.astype(jnp.int32)
    comp = _sc_gather_components(table, idx_t)

    polyc = jnp.transpose(polynomials, (1, 2, 0)).reshape(16, eb, 128)

    delta_t = (position.T - state_position.T - velocity.T * dt
               - external_acceleration.T * (dt * dt)).astype(f32)
    dt_t = jnp.zeros((8, n), f32).at[:3, :].set(delta_t)
    dn = jnp.zeros((n, 8), f32).at[:, :3].set(delta_t.T)

    total = pl.pallas_call(
        _fused_body,
        grid=(n // _ROW_BLOCK,),
        out_shape=jax.ShapeDtypeStruct((1, 1), f32),
        in_specs=[
            pl.BlockSpec((_ROW_BLOCK, n), lambda i: (i, 0)),
            pl.BlockSpec((8, n), lambda i: (0, 0)),
            pl.BlockSpec((_ROW_BLOCK, 8), lambda i: (i, 0)),
            pl.BlockSpec((12, eb, 128), lambda i: (0, 0, 0)),
            pl.BlockSpec((16, eb, 128), lambda i: (0, 0, 0)),
            pl.BlockSpec((eb, 128), lambda i: (0, 0)),
            pl.BlockSpec((eb, 128), lambda i: (0, 0)),
            pl.BlockSpec((eb, 128), lambda i: (0, 0)),
            pl.BlockSpec(memory_space=pltpu.SMEM),
        ],
        out_specs=pl.BlockSpec(memory_space=pltpu.SMEM),
    )(int_density_matrix, dt_t, dn, comp, polyc,
      measure.reshape(eb, 128), lam.reshape(eb, 128), mu.reshape(eb, 128),
      coeff)[0, 0]

    return total.astype(f32)

# --- scband reference (transcript-rebuilt; emitter-appended) ---
"""Pipeline reference for scband-deformable-simulator-53807350284629 (READ-ONLY COPY).

The authoritative reference and input builder live on the scoring server;
editing this copy changes nothing except your own understanding.
"""

import jax, jax.numpy as jnp
import numpy as np

N = 4096
E = 16384

def compute_energy_density(F, lam, mu):
    EPSILON = 1e-30
    C = jnp.einsum('...ji,...jk->...ik', F, F)
    J = jnp.linalg.det(F)
    Ic = C[..., 0, 0] + C[..., 1, 1] + C[..., 2, 2]
    delta = 1.0
    dim = 3
    alpha = (1 - 1 / (dim + delta)) * mu / lam + 1
    Ic_verified = jax.nn.relu(Ic + delta)
    return mu / 2 * (Ic - dim) + lam / 2 * (J - alpha) ** 2 - 0.5 * mu * jnp.log(Ic_verified + EPSILON)

def setup_inputs(seed: int = 0) -> dict:
    key = jax.random.key(seed)
    ks = jax.random.split(key, 10)
    position = jax.random.normal(ks[0], (N, 3), dtype=jnp.float32)
    state_position = jax.random.normal(ks[1], (N, 3), dtype=jnp.float32)
    velocity = 0.1 * jax.random.normal(ks[2], (N, 3), dtype=jnp.float32)
    external_acceleration = jnp.zeros((N, 3), dtype=jnp.float32).at[:, 2].set(-9.8)
    int_density_matrix = 1e-4 * jax.random.uniform(ks[3], (N, N), dtype=jnp.float32)
    elements = jax.random.randint(ks[4], (E, 4), 0, N)
    polynomials = jax.random.normal(ks[5], (E, 4, 4), dtype=jnp.float32)
    measure = 1e-3 * jax.random.uniform(ks[6], (E,), dtype=jnp.float32) + 1e-6
    lam = 1e3 * jax.random.uniform(ks[7], (E,), dtype=jnp.float32) + 1.0
    mu = 1e2 * jax.random.uniform(ks[8], (E,), dtype=jnp.float32) + 1.0
    return {
        'position': position,
        'time_step': 1,
        'state_position': state_position,
        'velocity': velocity,
        'external_acceleration': external_acceleration,
        'int_density_matrix': int_density_matrix,
        'elements': elements,
        'polynomials': polynomials,
        'measure': measure,
        'lam': lam,
        'mu': mu,
    }

def reference(position, time_step, state_position, velocity, external_acceleration, int_density_matrix, elements, polynomials, measure, lam, mu):
    inv_h = 1.0 / time_step
    coefficient = inv_h ** 2 / 2
    # kinetic energy term
    y = state_position + velocity * time_step + external_acceleration * (time_step ** 2)
    delta = position - y
    delta_delta = jnp.einsum('jk,ik->ji', delta, delta)
    kinetic_energy = jnp.einsum('ij,ji->', int_density_matrix, delta_delta) * coefficient
    # elastic energy term (gather vertex positions per element)
    basis_derivatives_q = polynomials[:, :4, :3]
    local_position = jnp.take(position, elements, axis=0)  # [E, 4, 3]
    F = jnp.einsum('bft,bfl->btl', local_position, basis_derivatives_q)  # [E, 3, 3]
    elastic_energy = jnp.einsum('b,b->', compute_energy_density(F, lam, mu), measure)
    return kinetic_energy + elastic_energy

if __name__ == "__main__":
    import jax
    _d = setup_inputs()
    print(jax.jit(kernel)(*tuple(_d.values())))

</pallas_src>

<mosaic_0001>
#map = affine_map<(d0, d1) -> (0, 0)>
#map1 = affine_map<(d0, d1) -> (0, 0, 0)>
module attributes {stable_mosaic.version = 14 : i64} {
  func.func @gather_kernel(%arg0: i32, %arg1: i32, %arg2: memref<4096x8xf32, #tpu.memory_space<hbm>>, %arg3: memref<4x16384xi32, #tpu.memory_space<hbm>>, %arg4: memref<12x128x128xf32, #tpu.memory_space<hbm>>, %arg5: memref<4x512xi32, #tpu.memory_space<vmem>>, %arg6: memref<2048x8xf32, #tpu.memory_space<vmem>>, %arg7: memref<12x4x128xf32, #tpu.memory_space<vmem>>, %arg8: memref<!tpu.dma_semaphore, #tpu.memory_space<semaphore_mem>>) attributes {dimension_semantics = [#tpu.dimension_semantics<core_parallel>, #tpu.dimension_semantics<subcore_parallel>], iteration_bounds = array<i64: 2, 16>, scalar_prefetch = 0 : i64, scratch_operands = 4 : i64, tpu.core_type = #tpu.core_type<sc_vector_subcore>, window_params = [{transform_indices = #map}, {transform_indices = #map}, {transform_indices = #map1}]} {
    %mul3A = arith.constant 2 : i32
    %mul3A_0 = arith.muli %arg1, %mul3A : i32
    %add3A = arith.addi %mul3A_0, %arg0 : i32
    %mul3A_1 = arith.constant 512 : i32
    %mul3A_2 = arith.muli %add3A, %mul3A_1 : i32
    %run_scoped3A = arith.constant 0 : i32
    %run_scoped3A_3 = arith.constant 0 : i32
    "tpu.region"() ({
      %run_scoped3A_349 = tpu.sem_alloc : memref<!tpu.dma_semaphore, #tpu.memory_space<semaphore_mem>>
      %dma_start3A_350 = arith.constant 0 : i32
      %dma_start3A_351 = tpu.memref_slice %arg5[%run_scoped3A_3, %dma_start3A_350] : memref<4x512xi32, #tpu.memory_space<vmem>> -> memref<1x512xi32, #tpu.memory_space<vmem>>
      %dma_start3A_352 = tpu.memref_squeeze %dma_start3A_351 : memref<1x512xi32, #tpu.memory_space<vmem>> -> memref<512xi32, #tpu.memory_space<vmem>>
      %dma_start3A_353 = tpu.memref_slice %arg3[%run_scoped3A, %mul3A_2] : memref<4x16384xi32, #tpu.memory_space<hbm>> -> memref<1x512xi32, #tpu.memory_space<hbm>>
      %dma_start3A_354 = tpu.memref_squeeze %dma_start3A_353 : memref<1x512xi32, #tpu.memory_space<hbm>> -> memref<512xi32, #tpu.memory_space<hbm>>
      %dma_start3A_355 = arith.constant 0 : i32
      %dma_start3A_356 = tpu.memref_slice %arg5[%run_scoped3A_3, %dma_start3A_355] : memref<4x512xi32, #tpu.memory_space<vmem>> -> memref<1x512xi32, #tpu.memory_space<vmem>>
      %dma_start3A_357 = tpu.memref_squeeze %dma_start3A_356 : memref<1x512xi32, #tpu.memory_space<vmem>> -> memref<512xi32, #tpu.memory_space<vmem>>
      %dma_start3A_358 = tpu.memref_slice %arg3[%run_scoped3A, %mul3A_2] : memref<4x16384xi32, #tpu.memory_space<hbm>> -> memref<1x512xi32, #tpu.memory_space<hbm>>
      %dma_start3A_359 = tpu.memref_squeeze %dma_start3A_358 : memref<1x512xi32, #tpu.memory_space<hbm>> -> memref<512xi32, #tpu.memory_space<hbm>>
      tpu.enqueue_dma source(%dma_start3A_359 : memref<512xi32, #tpu.memory_space<hbm>>) target(%dma_start3A_357 : memref<512xi32, #tpu.memory_space<vmem>>) target_semaphore(%run_scoped3A_349 : memref<!tpu.dma_semaphore, #tpu.memory_space<semaphore_mem>>)
      %dma_wait3A_360 = arith.constant 0 : i32
      %dma_wait3A_361 = tpu.memref_slice %arg5[%run_scoped3A_3, %dma_wait3A_360] : memref<4x512xi32, #tpu.memory_space<vmem>> -> memref<1x512xi32, #tpu.memory_space<vmem>>
      %dma_wait3A_362 = tpu.memref_squeeze %dma_wait3A_361 : memref<1x512xi32, #tpu.memory_space<vmem>> -> memref<512xi32, #tpu.memory_space<vmem>>
      %dma_wait3A_363 = tpu.memref_slice %arg3[%run_scoped3A, %mul3A_2] : memref<4x16384xi32, #tpu.memory_space<hbm>> -> memref<1x512xi32, #tpu.memory_space<hbm>>
      %dma_wait3A_364 = tpu.memref_squeeze %dma_wait3A_363 : memref<1x512xi32, #tpu.memory_space<hbm>> -> memref<512xi32, #tpu.memory_space<hbm>>
      %dma_wait3A_365 = arith.constant 0 : i32
      %dma_wait3A_366 = tpu.memref_slice %arg5[%run_scoped3A_3, %dma_wait3A_365] : memref<4x512xi32, #tpu.memory_space<vmem>> -> memref<1x512xi32, #tpu.memory_space<vmem>>
      %dma_wait3A_367 = tpu.memref_squeeze %dma_wait3A_366 : memref<1x512xi32, #tpu.memory_space<vmem>> -> memref<512xi32, #tpu.memory_space<vmem>>
      %dma_wait3A_368 = tpu.memref_slice %arg3[%run_scoped3A, %mul3A_2] : memref<4x16384xi32, #tpu.memory_space<hbm>> -> memref<1x512xi32, #tpu.memory_space<hbm>>
      %dma_wait3A_369 = tpu.memref_squeeze %dma_wait3A_368 : memref<1x512xi32, #tpu.memory_space<hbm>> -> memref<512xi32, #tpu.memory_space<hbm>>
      tpu.wait_dma2 semaphore(%run_scoped3A_349 : memref<!tpu.dma_semaphore, #tpu.memory_space<semaphore_mem>>) src(%dma_wait3A_369 : memref<512xi32, #tpu.memory_space<hbm>>) dst(%dma_wait3A_367 : memref<512xi32, #tpu.memory_space<vmem>>)
      tpu.yield
    }) : () -> ()
    %run_scoped3A_4 = arith.constant 1 : i32
    %run_scoped3A_5 = arith.constant 1 : i32
    "tpu.region"() ({
      %run_scoped3A_349 = tpu.sem_alloc : memref<!tpu.dma_semaphore, #tpu.memory_space<semaphore_mem>>
      %dma_start3A_350 = arith.constant 0 : i32
      %dma_start3A_351 = tpu.memref_slice %arg5[%run_scoped3A_5, %dma_start3A_350] : memref<4x512xi32, #tpu.memory_space<vmem>> -> memref<1x512xi32, #tpu.memory_space<vmem>>
      %dma_start3A_352 = tpu.memref_squeeze %dma_start3A_351 : memref<1x512xi32, #tpu.memory_space<vmem>> -> memref<512xi32, #tpu.memory_space<vmem>>
      %dma_start3A_353 = tpu.memref_slice %arg3[%run_scoped3A_4, %mul3A_2] : memref<4x16384xi32, #tpu.memory_space<hbm>> -> memref<1x512xi32, #tpu.memory_space<hbm>>
      %dma_start3A_354 = tpu.memref_squeeze %dma_start3A_353 : memref<1x512xi32, #tpu.memory_space<hbm>> -> memref<512xi32, #tpu.memory_space<hbm>>
      %dma_start3A_355 = arith.constant 0 : i32
      %dma_start3A_356 = tpu.memref_slice %arg5[%run_scoped3A_5, %dma_start3A_355] : memref<4x512xi32, #tpu.memory_space<vmem>> -> memref<1x512xi32, #tpu.memory_space<vmem>>
      %dma_start3A_357 = tpu.memref_squeeze %dma_start3A_356 : memref<1x512xi32, #tpu.memory_space<vmem>> -> memref<512xi32, #tpu.memory_space<vmem>>
      %dma_start3A_358 = tpu.memref_slice %arg3[%run_scoped3A_4, %mul3A_2] : memref<4x16384xi32, #tpu.memory_space<hbm>> -> memref<1x512xi32, #tpu.memory_space<hbm>>
      %dma_start3A_359 = tpu.memref_squeeze %dma_start3A_358 : memref<1x512xi32, #tpu.memory_space<hbm>> -> memref<512xi32, #tpu.memory_space<hbm>>
      tpu.enqueue_dma source(%dma_start3A_359 : memref<512xi32, #tpu.memory_space<hbm>>) target(%dma_start3A_357 : memref<512xi32, #tpu.memory_space<vmem>>) target_semaphore(%run_scoped3A_349 : memref<!tpu.dma_semaphore, #tpu.memory_space<semaphore_mem>>)
      %dma_wait3A_360 = arith.constant 0 : i32
      %dma_wait3A_361 = tpu.memref_slice %arg5[%run_scoped3A_5, %dma_wait3A_360] : memref<4x512xi32, #tpu.memory_space<vmem>> -> memref<1x512xi32, #tpu.memory_space<vmem>>
      %dma_wait3A_362 = tpu.memref_squeeze %dma_wait3A_361 : memref<1x512xi32, #tpu.memory_space<vmem>> -> memref<512xi32, #tpu.memory_space<vmem>>
      %dma_wait3A_363 = tpu.memref_slice %arg3[%run_scoped3A_4, %mul3A_2] : memref<4x16384xi32, #tpu.memory_space<hbm>> -> memref<1x512xi32, #tpu.memory_space<hbm>>
      %dma_wait3A_364 = tpu.memref_squeeze %dma_wait3A_363 : memref<1x512xi32, #tpu.memory_space<hbm>> -> memref<512xi32, #tpu.memory_space<hbm>>
      %dma_wait3A_365 = arith.constant 0 : i32
      %dma_wait3A_366 = tpu.memref_slice %arg5[%run_scoped3A_5, %dma_wait3A_365] : memref<4x512xi32, #tpu.memory_space<vmem>> -> memref<1x512xi32, #tpu.memory_space<vmem>>
      %dma_wait3A_367 = tpu.memref_squeeze %dma_wait3A_366 : memref<1x512xi32, #tpu.memory_space<vmem>> -> memref<512xi32, #tpu.memory_space<vmem>>
      %dma_wait3A_368 = tpu.memref_slice %arg3[%run_scoped3A_4, %mul3A_2] : memref<4x16384xi32, #tpu.memory_space<hbm>> -> memref<1x512xi32, #tpu.memory_space<hbm>>
      %dma_wait3A_369 = tpu.memref_squeeze %dma_wait3A_368 : memref<1x512xi32, #tpu.memory_space<hbm>> -> memref<512xi32, #tpu.memory_space<hbm>>
      tpu.wait_dma2 semaphore(%run_scoped3A_349 : memref<!tpu.dma_semaphore, #tpu.memory_space<semaphore_mem>>) src(%dma_wait3A_369 : memref<512xi32, #tpu.memory_space<hbm>>) dst(%dma_wait3A_367 : memref<512xi32, #tpu.memory_space<vmem>>)
      tpu.yield
    }) : () -> ()
    %run_scoped3A_6 = arith.constant 2 : i32
    %run_scoped3A_7 = arith.constant 2 : i32
    "tpu.region"() ({
      %run_scoped3A_349 = tpu.sem_alloc : memref<!tpu.dma_semaphore, #tpu.memory_space<semaphore_mem>>
      %dma_start3A_350 = arith.constant 0 : i32
      %dma_start3A_351 = tpu.memref_slice %arg5[%run_scoped3A_7, %dma_start3A_350] : memref<4x512xi32, #tpu.memory_space<vmem>> -> memref<1x512xi32, #tpu.memory_space<vmem>>
      %dma_start3A_352 = tpu.memref_squeeze %dma_start3A_351 : memref<1x512xi32, #tpu.memory_space<vmem>> -> memref<512xi32, #tpu.memory_space<vmem>>
      %dma_start3A_353 = tpu.memref_slice %arg3[%run_scoped3A_6, %mul3A_2] : memref<4x16384xi32, #tpu.memory_space<hbm>> -> memref<1x512xi32, #tpu.memory_space<hbm>>
      %dma_start3A_354 = tpu.memref_squeeze %dma_start3A_353 : memref<1x512xi32, #tpu.memory_space<hbm>> -> memref<512xi32, #tpu.memory_space<hbm>>
      %dma_start3A_355 = arith.constant 0 : i32
      %dma_start3A_356 = tpu.memref_slice %arg5[%run_scoped3A_7, %dma_start3A_355] : memref<4x512xi32, #tpu.memory_space<vmem>> -> memref<1x512xi32, #tpu.memory_space<vmem>>
      %dma_start3A_357 = tpu.memref_squeeze %dma_start3A_356 : memref<1x512xi32, #tpu.memory_space<vmem>> -> memref<512xi32, #tpu.memory_space<vmem>>
      %dma_start3A_358 = tpu.memref_slice %arg3[%run_scoped3A_6, %mul3A_2] : memref<4x16384xi32, #tpu.memory_space<hbm>> -> memref<1x512xi32, #tpu.memory_space<hbm>>
      %dma_start3A_359 = tpu.memref_squeeze %dma_start3A_358 : memref<1x512xi32, #tpu.memory_space<hbm>> -> memref<512xi32, #tpu.memory_space<hbm>>
      tpu.enqueue_dma source(%dma_start3A_359 : memref<512xi32, #tpu.memory_space<hbm>>) target(%dma_start3A_357 : memref<512xi32, #tpu.memory_space<vmem>>) target_semaphore(%run_scoped3A_349 : memref<!tpu.dma_semaphore, #tpu.memory_space<semaphore_mem>>)
      %dma_wait3A_360 = arith.constant 0 : i32
      %dma_wait3A_361 = tpu.memref_slice %arg5[%run_scoped3A_7, %dma_wait3A_360] : memref<4x512xi32, #tpu.memory_space<vmem>> -> memref<1x512xi32, #tpu.memory_space<vmem>>
      %dma_wait3A_362 = tpu.memref_squeeze %dma_wait3A_361 : memref<1x512xi32, #tpu.memory_space<vmem>> -> memref<512xi32, #tpu.memory_space<vmem>>
      %dma_wait3A_363 = tpu.memref_slice %arg3[%run_scoped3A_6, %mul3A_2] : memref<4x16384xi32, #tpu.memory_space<hbm>> -> memref<1x512xi32, #tpu.memory_space<hbm>>
      %dma_wait3A_364 = tpu.memref_squeeze %dma_wait3A_363 : memref<1x512xi32, #tpu.memory_space<hbm>> -> memref<512xi32, #tpu.memory_space<hbm>>
      %dma_wait3A_365 = arith.constant 0 : i32
      %dma_wait3A_366 = tpu.memref_slice %arg5[%run_scoped3A_7, %dma_wait3A_365] : memref<4x512xi32, #tpu.memory_space<vmem>> -> memref<1x512xi32, #tpu.memory_space<vmem>>
      %dma_wait3A_367 = tpu.memref_squeeze %dma_wait3A_366 : memref<1x512xi32, #tpu.memory_space<vmem>> -> memref<512xi32, #tpu.memory_space<vmem>>
      %dma_wait3A_368 = tpu.memref_slice %arg3[%run_scoped3A_6, %mul3A_2] : memref<4x16384xi32, #tpu.memory_space<hbm>> -> memref<1x512xi32, #tpu.memory_space<hbm>>
      %dma_wait3A_369 = tpu.memref_squeeze %dma_wait3A_368 : memref<1x512xi32, #tpu.memory_space<hbm>> -> memref<512xi32, #tpu.memory_space<hbm>>
      tpu.wait_dma2 semaphore(%run_scoped3A_349 : memref<!tpu.dma_semaphore, #tpu.memory_space<semaphore_mem>>) src(%dma_wait3A_369 : memref<512xi32, #tpu.memory_space<hbm>>) dst(%dma_wait3A_367 : memref<512xi32, #tpu.memory_space<vmem>>)
      tpu.yield
    }) : () -> ()
    %run_scoped3A_8 = arith.constant 3 : i32
    %run_scoped3A_9 = arith.constant 3 : i32
    "tpu.region"() ({
      %run_scoped3A_349 = tpu.sem_alloc : memref<!tpu.dma_semaphore, #tpu.memory_space<semaphore_mem>>
      %dma_start3A_350 = arith.constant 0 : i32
      %dma_start3A_351 = tpu.memref_slice %arg5[%run_scoped3A_9, %dma_start3A_350] : memref<4x512xi32, #tpu.memory_space<vmem>> -> memref<1x512xi32, #tpu.memory_space<vmem>>
      %dma_start3A_352 = tpu.memref_squeeze %dma_start3A_351 : memref<1x512xi32, #tpu.memory_space<vmem>> -> memref<512xi32, #tpu.memory_space<vmem>>
      %dma_start3A_353 = tpu.memref_slice %arg3[%run_scoped3A_8, %mul3A_2] : memref<4x16384xi32, #tpu.memory_space<hbm>> -> memref<1x512xi32, #tpu.memory_space<hbm>>
      %dma_start3A_354 = tpu.memref_squeeze %dma_start3A_353 : memref<1x512xi32, #tpu.memory_space<hbm>> -> memref<512xi32, #tpu.memory_space<hbm>>
      %dma_start3A_355 = arith.constant 0 : i32
      %dma_start3A_356 = tpu.memref_slice %arg5[%run_scoped3A_9, %dma_start3A_355] : memref<4x512xi32, #tpu.memory_space<vmem>> -> memref<1x512xi32, #tpu.memory_space<vmem>>
      %dma_start3A_357 = tpu.memref_squeeze %dma_start3A_356 : memref<1x512xi32, #tpu.memory_space<vmem>> -> memref<512xi32, #tpu.memory_space<vmem>>
      %dma_start3A_358 = tpu.memref_slice %arg3[%run_scoped3A_8, %mul3A_2] : memref<4x16384xi32, #tpu.memory_space<hbm>> -> memref<1x512xi32, #tpu.memory_space<hbm>>
      %dma_start3A_359 = tpu.memref_squeeze %dma_start3A_358 : memref<1x512xi32, #tpu.memory_space<hbm>> -> memref<512xi32, #tpu.memory_space<hbm>>
      tpu.enqueue_dma source(%dma_start3A_359 : memref<512xi32, #tpu.memory_space<hbm>>) target(%dma_start3A_357 : memref<512xi32, #tpu.memory_space<vmem>>) target_semaphore(%run_scoped3A_349 : memref<!tpu.dma_semaphore, #tpu.memory_space<semaphore_mem>>)
      %dma_wait3A_360 = arith.constant 0 : i32
      %dma_wait3A_361 = tpu.memref_slice %arg5[%run_scoped3A_9, %dma_wait3A_360] : memref<4x512xi32, #tpu.memory_space<vmem>> -> memref<1x512xi32, #tpu.memory_space<vmem>>
      %dma_wait3A_362 = tpu.memref_squeeze %dma_wait3A_361 : memref<1x512xi32, #tpu.memory_space<vmem>> -> memref<512xi32, #tpu.memory_space<vmem>>
      %dma_wait3A_363 = tpu.memref_slice %arg3[%run_scoped3A_8, %mul3A_2] : memref<4x16384xi32, #tpu.memory_space<hbm>> -> memref<1x512xi32, #tpu.memory_space<hbm>>
      %dma_wait3A_364 = tpu.memref_squeeze %dma_wait3A_363 : memref<1x512xi32, #tpu.memory_space<hbm>> -> memref<512xi32, #tpu.memory_space<hbm>>
      %dma_wait3A_365 = arith.constant 0 : i32
      %dma_wait3A_366 = tpu.memref_slice %arg5[%run_scoped3A_9, %dma_wait3A_365] : memref<4x512xi32, #tpu.memory_space<vmem>> -> memref<1x512xi32, #tpu.memory_space<vmem>>
      %dma_wait3A_367 = tpu.memref_squeeze %dma_wait3A_366 : memref<1x512xi32, #tpu.memory_space<vmem>> -> memref<512xi32, #tpu.memory_space<vmem>>
      %dma_wait3A_368 = tpu.memref_slice %arg3[%run_scoped3A_8, %mul3A_2] : memref<4x16384xi32, #tpu.memory_space<hbm>> -> memref<1x512xi32, #tpu.memory_space<hbm>>
      %dma_wait3A_369 = tpu.memref_squeeze %dma_wait3A_368 : memref<1x512xi32, #tpu.memory_space<hbm>> -> memref<512xi32, #tpu.memory_space<hbm>>
      tpu.wait_dma2 semaphore(%run_scoped3A_349 : memref<!tpu.dma_semaphore, #tpu.memory_space<semaphore_mem>>) src(%dma_wait3A_369 : memref<512xi32, #tpu.memory_space<hbm>>) dst(%dma_wait3A_367 : memref<512xi32, #tpu.memory_space<vmem>>)
      tpu.yield
    }) : () -> ()
    %dma_start3A = arith.constant 0 : i32
    %dma_start3A_10 = arith.constant 0 : i32
    %dma_start3A_11 = arith.constant 0 : i32
    %dma_start3A_12 = tpu.memref_slice %arg6[%dma_start3A_10, %dma_start3A_11] : memref<2048x8xf32, #tpu.memory_space<vmem>> -> memref<128x8xf32, #tpu.memory_space<vmem>>
    %dma_start3A_13 = arith.constant 0 : i32
    %dma_start3A_14 = tpu.memref_slice %arg5[%dma_start3A, %dma_start3A_13] : memref<4x512xi32, #tpu.memory_space<vmem>> -> memref<1x128xi32, #tpu.memory_space<vmem>>
    %dma_start3A_15 = tpu.memref_squeeze %dma_start3A_14 : memref<1x128xi32, #tpu.memory_space<vmem>> -> memref<128xi32, #tpu.memory_space<vmem>>
    %dma_start3A_16 = arith.constant 0 : i32
    %dma_start3A_17 = arith.constant 0 : i32
    %dma_start3A_18 = tpu.memref_slice %arg2[%dma_start3A_16, %dma_start3A_17] : memref<4096x8xf32, #tpu.memory_space<hbm>> -> memref<4096x8xf32, #tpu.memory_space<hbm>>
    tpu.enqueue_indirect_dma source(%dma_start3A_18 : memref<4096x8xf32, #tpu.memory_space<hbm>>) target(%dma_start3A_12 : memref<128x8xf32, #tpu.memory_space<vmem>>) offsets(%dma_start3A_15 : memref<128xi32, #tpu.memory_space<vmem>>) semaphore(%arg8 : memref<!tpu.dma_semaphore, #tpu.memory_space<semaphore_mem>>)
    %dma_start3A_19 = arith.constant 0 : i32
    %dma_start3A_20 = arith.constant 128 : i32
    %dma_start3A_21 = arith.constant 0 : i32
    %dma_start3A_22 = tpu.memref_slice %arg6[%dma_start3A_20, %dma_start3A_21] : memref<2048x8xf32, #tpu.memory_space<vmem>> -> memref<128x8xf32, #tpu.memory_space<vmem>>
    %dma_start3A_23 = arith.constant 128 : i32
    %dma_start3A_24 = tpu.memref_slice %arg5[%dma_start3A_19, %dma_start3A_23] : memref<4x512xi32, #tpu.memory_space<vmem>> -> memref<1x128xi32, #tpu.memory_space<vmem>>
    %dma_start3A_25 = tpu.memref_squeeze %dma_start3A_24 : memref<1x128xi32, #tpu.memory_space<vmem>> -> memref<128xi32, #tpu.memory_space<vmem>>
    %dma_start3A_26 = arith.constant 0 : i32
    %dma_start3A_27 = arith.constant 0 : i32
    %dma_start3A_28 = tpu.memref_slice %arg2[%dma_start3A_26, %dma_start3A_27] : memref<4096x8xf32, #tpu.memory_space<hbm>> -> memref<4096x8xf32, #tpu.memory_space<hbm>>
    tpu.enqueue_indirect_dma source(%dma_start3A_28 : memref<4096x8xf32, #tpu.memory_space<hbm>>) target(%dma_start3A_22 : memref<128x8xf32, #tpu.memory_space<vmem>>) offsets(%dma_start3A_25 : memref<128xi32, #tpu.memory_space<vmem>>) semaphore(%arg8 : memref<!tpu.dma_semaphore, #tpu.memory_space<semaphore_mem>>)
    %dma_start3A_29 = arith.constant 0 : i32
    %dma_start3A_30 = arith.constant 256 : i32
    %dma_start3A_31 = arith.constant 0 : i32
    %dma_start3A_32 = tpu.memref_slice %arg6[%dma_start3A_30, %dma_start3A_31] : memref<2048x8xf32, #tpu.memory_space<vmem>> -> memref<128x8xf32, #tpu.memory_space<vmem>>
    %dma_start3A_33 = arith.constant 256 : i32
    %dma_start3A_34 = tpu.memref_slice %arg5[%dma_start3A_29, %dma_start3A_33] : memref<4x512xi32, #tpu.memory_space<vmem>> -> memref<1x128xi32, #tpu.memory_space<vmem>>
    %dma_start3A_35 = tpu.memref_squeeze %dma_start3A_34 : memref<1x128xi32, #tpu.memory_space<vmem>> -> memref<128xi32, #tpu.memory_space<vmem>>
    %dma_start3A_36 = arith.constant 0 : i32
    %dma_start3A_37 = arith.constant 0 : i32
    %dma_start3A_38 = tpu.memref_slice %arg2[%dma_start3A_36, %dma_start3A_37] : memref<4096x8xf32, #tpu.memory_space<hbm>> -> memref<4096x8xf32, #tpu.memory_space<hbm>>
    tpu.enqueue_indirect_dma source(%dma_start3A_38 : memref<4096x8xf32, #tpu.memory_space<hbm>>) target(%dma_start3A_32 : memref<128x8xf32, #tpu.memory_space<vmem>>) offsets(%dma_start3A_35 : memref<128xi32, #tpu.memory_space<vmem>>) semaphore(%arg8 : memref<!tpu.dma_semaphore, #tpu.memory_space<semaphore_mem>>)
    %dma_start3A_39 = arith.constant 0 : i32
    %dma_start3A_40 = arith.constant 384 : i32
    %dma_start3A_41 = arith.constant 0 : i32
    %dma_start3A_42 = tpu.memref_slice %arg6[%dma_start3A_40, %dma_start3A_41] : memref<2048x8xf32, #tpu.memory_space<vmem>> -> memref<128x8xf32, #tpu.memory_space<vmem>>
    %dma_start3A_43 = arith.constant 384 : i32
    %dma_start3A_44 = tpu.memref_slice %arg5[%dma_start3A_39, %dma_start3A_43] : memref<4x512xi32, #tpu.memory_space<vmem>> -> memref<1x128xi32, #tpu.memory_space<vmem>>
    %dma_start3A_45 = tpu.memref_squeeze %dma_start3A_44 : memref<1x128xi32, #tpu.memory_space<vmem>> -> memref<128xi32, #tpu.memory_space<vmem>>
    %dma_start3A_46 = arith.constant 0 : i32
    %dma_start3A_47 = arith.constant 0 : i32
    %dma_start3A_48 = tpu.memref_slice %arg2[%dma_start3A_46, %dma_start3A_47] : memref<4096x8xf32, #tpu.memory_space<hbm>> -> memref<4096x8xf32, #tpu.memory_space<hbm>>
    tpu.enqueue_indirect_dma source(%dma_start3A_48 : memref<4096x8xf32, #tpu.memory_space<hbm>>) target(%dma_start3A_42 : memref<128x8xf32, #tpu.memory_space<vmem>>) offsets(%dma_start3A_45 : memref<128xi32, #tpu.memory_space<vmem>>) semaphore(%arg8 : memref<!tpu.dma_semaphore, #tpu.memory_space<semaphore_mem>>)
    %dma_start3A_49 = arith.constant 1 : i32
    %dma_start3A_50 = arith.constant 512 : i32
    %dma_start3A_51 = arith.constant 0 : i32
    %dma_start3A_52 = tpu.memref_slice %arg6[%dma_start3A_50, %dma_start3A_51] : memref<2048x8xf32, #tpu.memory_space<vmem>> -> memref<128x8xf32, #tpu.memory_space<vmem>>
    %dma_start3A_53 = arith.constant 0 : i32
    %dma_start3A_54 = tpu.memref_slice %arg5[%dma_start3A_49, %dma_start3A_53] : memref<4x512xi32, #tpu.memory_space<vmem>> -> memref<1x128xi32, #tpu.memory_space<vmem>>
    %dma_start3A_55 = tpu.memref_squeeze %dma_start3A_54 : memref<1x128xi32, #tpu.memory_space<vmem>> -> memref<128xi32, #tpu.memory_space<vmem>>
    %dma_start3A_56 = arith.constant 0 : i32
    %dma_start3A_57 = arith.constant 0 : i32
    %dma_start3A_58 = tpu.memref_slice %arg2[%dma_start3A_56, %dma_start3A_57] : memref<4096x8xf32, #tpu.memory_space<hbm>> -> memref<4096x8xf32, #tpu.memory_space<hbm>>
    tpu.enqueue_indirect_dma source(%dma_start3A_58 : memref<4096x8xf32, #tpu.memory_space<hbm>>) target(%dma_start3A_52 : memref<128x8xf32, #tpu.memory_space<vmem>>) offsets(%dma_start3A_55 : memref<128xi32, #tpu.memory_space<vmem>>) semaphore(%arg8 : memref<!tpu.dma_semaphore, #tpu.memory_space<semaphore_mem>>)
    %dma_start3A_59 = arith.constant 1 : i32
    %dma_start3A_60 = arith.constant 640 : i32
    %dma_start3A_61 = arith.constant 0 : i32
    %dma_start3A_62 = tpu.memref_slice %arg6[%dma_start3A_60, %dma_start3A_61] : memref<2048x8xf32, #tpu.memory_space<vmem>> -> memref<128x8xf32, #tpu.memory_space<vmem>>
    %dma_start3A_63 = arith.constant 128 : i32
    %dma_start3A_64 = tpu.memref_slice %arg5[%dma_start3A_59, %dma_start3A_63] : memref<4x512xi32, #tpu.memory_space<vmem>> -> memref<1x128xi32, #tpu.memory_space<vmem>>
    %dma_start3A_65 = tpu.memref_squeeze %dma_start3A_64 : memref<1x128xi32, #tpu.memory_space<vmem>> -> memref<128xi32, #tpu.memory_space<vmem>>
    %dma_start3A_66 = arith.constant 0 : i32
    %dma_start3A_67 = arith.constant 0 : i32
    %dma_start3A_68 = tpu.memref_slice %arg2[%dma_start3A_66, %dma_start3A_67] : memref<4096x8xf32, #tpu.memory_space<hbm>> -> memref<4096x8xf32, #tpu.memory_space<hbm>>
    tpu.enqueue_indirect_dma source(%dma_start3A_68 : memref<4096x8xf32, #tpu.memory_space<hbm>>) target(%dma_start3A_62 : memref<128x8xf32, #tpu.memory_space<vmem>>) offsets(%dma_start3A_65 : memref<128xi32, #tpu.memory_space<vmem>>) semaphore(%arg8 : memref<!tpu.dma_semaphore, #tpu.memory_space<semaphore_mem>>)
    %dma_start3A_69 = arith.constant 1 : i32
    %dma_start3A_70 = arith.constant 768 : i32
    %dma_start3A_71 = arith.constant 0 : i32
    %dma_start3A_72 = tpu.memref_slice %arg6[%dma_start3A_70, %dma_start3A_71] : memref<2048x8xf32, #tpu.memory_space<vmem>> -> memref<128x8xf32, #tpu.memory_space<vmem>>
    %dma_start3A_73 = arith.constant 256 : i32
    %dma_start3A_74 = tpu.memref_slice %arg5[%dma_start3A_69, %dma_start3A_73] : memref<4x512xi32, #tpu.memory_space<vmem>> -> memref<1x128xi32, #tpu.memory_space<vmem>>
    %dma_start3A_75 = tpu.memref_squeeze %dma_start3A_74 : memref<1x128xi32, #tpu.memory_space<vmem>> -> memref<128xi32, #tpu.memory_space<vmem>>
    %dma_start3A_76 = arith.constant 0 : i32
    %dma_start3A_77 = arith.constant 0 : i32
    %dma_start3A_78 = tpu.memref_slice %arg2[%dma_start3A_76, %dma_start3A_77] : memref<4096x8xf32, #tpu.memory_space<hbm>> -> memref<4096x8xf32, #tpu.memory_space<hbm>>
    tpu.enqueue_indirect_dma source(%dma_start3A_78 : memref<4096x8xf32, #tpu.memory_space<hbm>>) target(%dma_start3A_72 : memref<128x8xf32, #tpu.memory_space<vmem>>) offsets(%dma_start3A_75 : memref<128xi32, #tpu.memory_space<vmem>>) semaphore(%arg8 : memref<!tpu.dma_semaphore, #tpu.memory_space<semaphore_mem>>)
    %dma_start3A_79 = arith.constant 1 : i32
    %dma_start3A_80 = arith.constant 896 : i32
    %dma_start3A_81 = arith.constant 0 : i32
    %dma_start3A_82 = tpu.memref_slice %arg6[%dma_start3A_80, %dma_start3A_81] : memref<2048x8xf32, #tpu.memory_space<vmem>> -> memref<128x8xf32, #tpu.memory_space<vmem>>
    %dma_start3A_83 = arith.constant 384 : i32
    %dma_start3A_84 = tpu.memref_slice %arg5[%dma_start3A_79, %dma_start3A_83] : memref<4x512xi32, #tpu.memory_space<vmem>> -> memref<1x128xi32, #tpu.memory_space<vmem>>
    %dma_start3A_85 = tpu.memref_squeeze %dma_start3A_84 : memref<1x128xi32, #tpu.memory_space<vmem>> -> memref<128xi32, #tpu.memory_space<vmem>>
    %dma_start3A_86 = arith.constant 0 : i32
    %dma_start3A_87 = arith.constant 0 : i32
    %dma_start3A_88 = tpu.memref_slice %arg2[%dma_start3A_86, %dma_start3A_87] : memref<4096x8xf32, #tpu.memory_space<hbm>> -> memref<4096x8xf32, #tpu.memory_space<hbm>>
    tpu.enqueue_indirect_dma source(%dma_start3A_88 : memref<4096x8xf32, #tpu.memory_space<hbm>>) target(%dma_start3A_82 : memref<128x8xf32, #tpu.memory_space<vmem>>) offsets(%dma_start3A_85 : memref<128xi32, #tpu.memory_space<vmem>>) semaphore(%arg8 : memref<!tpu.dma_semaphore, #tpu.memory_space<semaphore_mem>>)
    %dma_start3A_89 = arith.constant 2 : i32
    %dma_start3A_90 = arith.constant 1024 : i32
    %dma_start3A_91 = arith.constant 0 : i32
    %dma_start3A_92 = tpu.memref_slice %arg6[%dma_start3A_90, %dma_start3A_91] : memref<2048x8xf32, #tpu.memory_space<vmem>> -> memref<128x8xf32, #tpu.memory_space<vmem>>
    %dma_start3A_93 = arith.constant 0 : i32
    %dma_start3A_94 = tpu.memref_slice %arg5[%dma_start3A_89, %dma_start3A_93] : memref<4x512xi32, #tpu.memory_space<vmem>> -> memref<1x128xi32, #tpu.memory_space<vmem>>
    %dma_start3A_95 = tpu.memref_squeeze %dma_start3A_94 : memref<1x128xi32, #tpu.memory_space<vmem>> -> memref<128xi32, #tpu.memory_space<vmem>>
    %dma_start3A_96 = arith.constant 0 : i32
    %dma_start3A_97 = arith.constant 0 : i32
    %dma_start3A_98 = tpu.memref_slice %arg2[%dma_start3A_96, %dma_start3A_97] : memref<4096x8xf32, #tpu.memory_space<hbm>> -> memref<4096x8xf32, #tpu.memory_space<hbm>>
    tpu.enqueue_indirect_dma source(%dma_start3A_98 : memref<4096x8xf32, #tpu.memory_space<hbm>>) target(%dma_start3A_92 : memref<128x8xf32, #tpu.memory_space<vmem>>) offsets(%dma_start3A_95 : memref<128xi32, #tpu.memory_space<vmem>>) semaphore(%arg8 : memref<!tpu.dma_semaphore, #tpu.memory_space<semaphore_mem>>)
    %dma_start3A_99 = arith.constant 2 : i32
    %dma_start3A_100 = arith.constant 1152 : i32
    %dma_start3A_101 = arith.constant 0 : i32
    %dma_start3A_102 = tpu.memref_slice %arg6[%dma_start3A_100, %dma_start3A_101] : memref<2048x8xf32, #tpu.memory_space<vmem>> -> memref<128x8xf32, #tpu.memory_space<vmem>>
    %dma_start3A_103 = arith.constant 128 : i32
    %dma_start3A_104 = tpu.memref_slice %arg5[%dma_start3A_99, %dma_start3A_103] : memref<4x512xi32, #tpu.memory_space<vmem>> -> memref<1x128xi32, #tpu.memory_space<vmem>>
    %dma_start3A_105 = tpu.memref_squeeze %dma_start3A_104 : memref<1x128xi32, #tpu.memory_space<vmem>> -> memref<128xi32, #tpu.memory_space<vmem>>
    %dma_start3A_106 = arith.constant 0 : i32
    %dma_start3A_107 = arith.constant 0 : i32
    %dma_start3A_108 = tpu.memref_slice %arg2[%dma_start3A_106, %dma_start3A_107] : memref<4096x8xf32, #tpu.memory_space<hbm>> -> memref<4096x8xf32, #tpu.memory_space<hbm>>
    tpu.enqueue_indirect_dma source(%dma_start3A_108 : memref<4096x8xf32, #tpu.memory_space<hbm>>) target(%dma_start3A_102 : memref<128x8xf32, #tpu.memory_space<vmem>>) offsets(%dma_start3A_105 : memref<128xi32, #tpu.memory_space<vmem>>) semaphore(%arg8 : memref<!tpu.dma_semaphore, #tpu.memory_space<semaphore_mem>>)
    %dma_start3A_109 = arith.constant 2 : i32
    %dma_start3A_110 = arith.constant 1280 : i32
    %dma_start3A_111 = arith.constant 0 : i32
    %dma_start3A_112 = tpu.memref_slice %arg6[%dma_start3A_110, %dma_start3A_111] : memref<2048x8xf32, #tpu.memory_space<vmem>> -> memref<128x8xf32, #tpu.memory_space<vmem>>
    %dma_start3A_113 = arith.constant 256 : i32
    %dma_start3A_114 = tpu.memref_slice %arg5[%dma_start3A_109, %dma_start3A_113] : memref<4x512xi32, #tpu.memory_space<vmem>> -> memref<1x128xi32, #tpu.memory_space<vmem>>
    %dma_start3A_115 = tpu.memref_squeeze %dma_start3A_114 : memref<1x128xi32, #tpu.memory_space<vmem>> -> memref<128xi32, #tpu.memory_space<vmem>>
    %dma_start3A_116 = arith.constant 0 : i32
    %dma_start3A_117 = arith.constant 0 : i32
    %dma_start3A_118 = tpu.memref_slice %arg2[%dma_start3A_116, %dma_start3A_117] : memref<4096x8xf32, #tpu.memory_space<hbm>> -> memref<4096x8xf32, #tpu.memory_space<hbm>>
    tpu.enqueue_indirect_dma source(%dma_start3A_118 : memref<4096x8xf32, #tpu.memory_space<hbm>>) target(%dma_start3A_112 : memref<128x8xf32, #tpu.memory_space<vmem>>) offsets(%dma_start3A_115 : memref<128xi32, #tpu.memory_space<vmem>>) semaphore(%arg8 : memref<!tpu.dma_semaphore, #tpu.memory_space<semaphore_mem>>)
    %dma_start3A_119 = arith.constant 2 : i32
    %dma_start3A_120 = arith.constant 1408 : i32
    %dma_start3A_121 = arith.constant 0 : i32
    %dma_start3A_122 = tpu.memref_slice %arg6[%dma_start3A_120, %dma_start3A_121] : memref<2048x8xf32, #tpu.memory_space<vmem>> -> memref<128x8xf32, #tpu.memory_space<vmem>>
    %dma_start3A_123 = arith.constant 384 : i32
    %dma_start3A_124 = tpu.memref_slice %arg5[%dma_start3A_119, %dma_start3A_123] : memref<4x512xi32, #tpu.memory_space<vmem>> -> memref<1x128xi32, #tpu.memory_space<vmem>>
    %dma_start3A_125 = tpu.memref_squeeze %dma_start3A_124 : memref<1x128xi32, #tpu.memory_space<vmem>> -> memref<128xi32, #tpu.memory_space<vmem>>
    %dma_start3A_126 = arith.constant 0 : i32
    %dma_start3A_127 = arith.constant 0 : i32
    %dma_start3A_128 = tpu.memref_slice %arg2[%dma_start3A_126, %dma_start3A_127] : memref<4096x8xf32, #tpu.memory_space<hbm>> -> memref<4096x8xf32, #tpu.memory_space<hbm>>
    tpu.enqueue_indirect_dma source(%dma_start3A_128 : memref<4096x8xf32, #tpu.memory_space<hbm>>) target(%dma_start3A_122 : memref<128x8xf32, #tpu.memory_space<vmem>>) offsets(%dma_start3A_125 : memref<128xi32, #tpu.memory_space<vmem>>) semaphore(%arg8 : memref<!tpu.dma_semaphore, #tpu.memory_space<semaphore_mem>>)
    %dma_start3A_129 = arith.constant 3 : i32
    %dma_start3A_130 = arith.constant 1536 : i32
    %dma_start3A_131 = arith.constant 0 : i32
    %dma_start3A_132 = tpu.memref_slice %arg6[%dma_start3A_130, %dma_start3A_131] : memref<2048x8xf32, #tpu.memory_space<vmem>> -> memref<128x8xf32, #tpu.memory_space<vmem>>
    %dma_start3A_133 = arith.constant 0 : i32
    %dma_start3A_134 = tpu.memref_slice %arg5[%dma_start3A_129, %dma_start3A_133] : memref<4x512xi32, #tpu.memory_space<vmem>> -> memref<1x128xi32, #tpu.memory_space<vmem>>
    %dma_start3A_135 = tpu.memref_squeeze %dma_start3A_134 : memref<1x128xi32, #tpu.memory_space<vmem>> -> memref<128xi32, #tpu.memory_space<vmem>>
    %dma_start3A_136 = arith.constant 0 : i32
    %dma_start3A_137 = arith.constant 0 : i32
    %dma_start3A_138 = tpu.memref_slice %arg2[%dma_start3A_136, %dma_start3A_137] : memref<4096x8xf32, #tpu.memory_space<hbm>> -> memref<4096x8xf32, #tpu.memory_space<hbm>>
    tpu.enqueue_indirect_dma source(%dma_start3A_138 : memref<4096x8xf32, #tpu.memory_space<hbm>>) target(%dma_start3A_132 : memref<128x8xf32, #tpu.memory_space<vmem>>) offsets(%dma_start3A_135 : memref<128xi32, #tpu.memory_space<vmem>>) semaphore(%arg8 : memref<!tpu.dma_semaphore, #tpu.memory_space<semaphore_mem>>)
    %dma_start3A_139 = arith.constant 3 : i32
    %dma_start3A_140 = arith.constant 1664 : i32
    %dma_start3A_141 = arith.constant 0 : i32
    %dma_start3A_142 = tpu.memref_slice %arg6[%dma_start3A_140, %dma_start3A_141] : memref<2048x8xf32, #tpu.memory_space<vmem>> -> memref<128x8xf32, #tpu.memory_space<vmem>>
    %dma_start3A_143 = arith.constant 128 : i32
    %dma_start3A_144 = tpu.memref_slice %arg5[%dma_start3A_139, %dma_start3A_143] : memref<4x512xi32, #tpu.memory_space<vmem>> -> memref<1x128xi32, #tpu.memory_space<vmem>>
    %dma_start3A_145 = tpu.memref_squeeze %dma_start3A_144 : memref<1x128xi32, #tpu.memory_space<vmem>> -> memref<128xi32, #tpu.memory_space<vmem>>
    %dma_start3A_146 = arith.constant 0 : i32
    %dma_start3A_147 = arith.constant 0 : i32
    %dma_start3A_148 = tpu.memref_slice %arg2[%dma_start3A_146, %dma_start3A_147] : memref<4096x8xf32, #tpu.memory_space<hbm>> -> memref<4096x8xf32, #tpu.memory_space<hbm>>
    tpu.enqueue_indirect_dma source(%dma_start3A_148 : memref<4096x8xf32, #tpu.memory_space<hbm>>) target(%dma_start3A_142 : memref<128x8xf32, #tpu.memory_space<vmem>>) offsets(%dma_start3A_145 : memref<128xi32, #tpu.memory_space<vmem>>) semaphore(%arg8 : memref<!tpu.dma_semaphore, #tpu.memory_space<semaphore_mem>>)
    %dma_start3A_149 = arith.constant 3 : i32
    %dma_start3A_150 = arith.constant 1792 : i32
    %dma_start3A_151 = arith.constant 0 : i32
    %dma_start3A_152 = tpu.memref_slice %arg6[%dma_start3A_150, %dma_start3A_151] : memref<2048x8xf32, #tpu.memory_space<vmem>> -> memref<128x8xf32, #tpu.memory_space<vmem>>
    %dma_start3A_153 = arith.constant 256 : i32
    %dma_start3A_154 = tpu.memref_slice %arg5[%dma_start3A_149, %dma_start3A_153] : memref<4x512xi32, #tpu.memory_space<vmem>> -> memref<1x128xi32, #tpu.memory_space<vmem>>
    %dma_start3A_155 = tpu.memref_squeeze %dma_start3A_154 : memref<1x128xi32, #tpu.memory_space<vmem>> -> memref<128xi32, #tpu.memory_space<vmem>>
    %dma_start3A_156 = arith.constant 0 : i32
    %dma_start3A_157 = arith.constant 0 : i32
    %dma_start3A_158 = tpu.memref_slice %arg2[%dma_start3A_156, %dma_start3A_157] : memref<4096x8xf32, #tpu.memory_space<hbm>> -> memref<4096x8xf32, #tpu.memory_space<hbm>>
    tpu.enqueue_indirect_dma source(%dma_start3A_158 : memref<4096x8xf32, #tpu.memory_space<hbm>>) target(%dma_start3A_152 : memref<128x8xf32, #tpu.memory_space<vmem>>) offsets(%dma_start3A_155 : memref<128xi32, #tpu.memory_space<vmem>>) semaphore(%arg8 : memref<!tpu.dma_semaphore, #tpu.memory_space<semaphore_mem>>)
    %dma_start3A_159 = arith.constant 3 : i32
    %dma_start3A_160 = arith.constant 1920 : i32
    %dma_start3A_161 = arith.constant 0 : i32
    %dma_start3A_162 = tpu.memref_slice %arg6[%dma_start3A_160, %dma_start3A_161] : memref<2048x8xf32, #tpu.memory_space<vmem>> -> memref<128x8xf32, #tpu.memory_space<vmem>>
    %dma_start3A_163 = arith.constant 384 : i32
    %dma_start3A_164 = tpu.memref_slice %arg5[%dma_start3A_159, %dma_start3A_163] : memref<4x512xi32, #tpu.memory_space<vmem>> -> memref<1x128xi32, #tpu.memory_space<vmem>>
    %dma_start3A_165 = tpu.memref_squeeze %dma_start3A_164 : memref<1x128xi32, #tpu.memory_space<vmem>> -> memref<128xi32, #tpu.memory_space<vmem>>
    %dma_start3A_166 = arith.constant 0 : i32
    %dma_start3A_167 = arith.constant 0 : i32
    %dma_start3A_168 = tpu.memref_slice %arg2[%dma_start3A_166, %dma_start3A_167] : memref<4096x8xf32, #tpu.memory_space<hbm>> -> memref<4096x8xf32, #tpu.memory_space<hbm>>
    tpu.enqueue_indirect_dma source(%dma_start3A_168 : memref<4096x8xf32, #tpu.memory_space<hbm>>) target(%dma_start3A_162 : memref<128x8xf32, #tpu.memory_space<vmem>>) offsets(%dma_start3A_165 : memref<128xi32, #tpu.memory_space<vmem>>) semaphore(%arg8 : memref<!tpu.dma_semaphore, #tpu.memory_space<semaphore_mem>>)
    %dma_wait3A = arith.constant 0 : i32
    %dma_wait3A_169 = arith.constant 0 : i32
    %dma_wait3A_170 = arith.constant 0 : i32
    %dma_wait3A_171 = tpu.memref_slice %arg6[%dma_wait3A_169, %dma_wait3A_170] : memref<2048x8xf32, #tpu.memory_space<vmem>> -> memref<128x8xf32, #tpu.memory_space<vmem>>
    %dma_wait3A_172 = arith.constant 0 : i32
    %dma_wait3A_173 = tpu.memref_slice %arg5[%dma_wait3A, %dma_wait3A_172] : memref<4x512xi32, #tpu.memory_space<vmem>> -> memref<1x128xi32, #tpu.memory_space<vmem>>
    %dma_wait3A_174 = tpu.memref_squeeze %dma_wait3A_173 : memref<1x128xi32, #tpu.memory_space<vmem>> -> memref<128xi32, #tpu.memory_space<vmem>>
    %dma_wait3A_175 = arith.constant 0 : i32
    %dma_wait3A_176 = arith.constant 0 : i32
    %dma_wait3A_177 = tpu.memref_slice %arg2[%dma_wait3A_175, %dma_wait3A_176] : memref<4096x8xf32, #tpu.memory_space<hbm>> -> memref<4096x8xf32, #tpu.memory_space<hbm>>
    tpu.wait_indirect_dma semaphore(%arg8 : memref<!tpu.dma_semaphore, #tpu.memory_space<semaphore_mem>>) src(%dma_wait3A_177 : memref<4096x8xf32, #tpu.memory_space<hbm>>) dst(%dma_wait3A_171 : memref<128x8xf32, #tpu.memory_space<vmem>>)
    %dma_wait3A_178 = arith.constant 0 : i32
    %dma_wait3A_179 = arith.constant 128 : i32
    %dma_wait3A_180 = arith.constant 0 : i32
    %dma_wait3A_181 = tpu.memref_slice %arg6[%dma_wait3A_179, %dma_wait3A_180] : memref<2048x8xf32, #tpu.memory_space<vmem>> -> memref<128x8xf32, #tpu.memory_space<vmem>>
    %dma_wait3A_182 = arith.constant 128 : i32
    %dma_wait3A_183 = tpu.memref_slice %arg5[%dma_wait3A_178, %dma_wait3A_182] : memref<4x512xi32, #tpu.memory_space<vmem>> -> memref<1x128xi32, #tpu.memory_space<vmem>>
    %dma_wait3A_184 = tpu.memref_squeeze %dma_wait3A_183 : memref<1x128xi32, #tpu.memory_space<vmem>> -> memref<128xi32, #tpu.memory_space<vmem>>
    %dma_wait3A_185 = arith.constant 0 : i32
    %dma_wait3A_186 = arith.constant 0 : i32
    %dma_wait3A_187 = tpu.memref_slice %arg2[%dma_wait3A_185, %dma_wait3A_186] : memref<4096x8xf32, #tpu.memory_space<hbm>> -> memref<4096x8xf32, #tpu.memory_space<hbm>>
    tpu.wait_indirect_dma semaphore(%arg8 : memref<!tpu.dma_semaphore, #tpu.memory_space<semaphore_mem>>) src(%dma_wait3A_187 : memref<4096x8xf32, #tpu.memory_space<hbm>>) dst(%dma_wait3A_181 : memref<128x8xf32, #tpu.memory_space<vmem>>)
    %dma_wait3A_188 = arith.constant 0 : i32
    %dma_wait3A_189 = arith.constant 256 : i32
    %dma_wait3A_190 = arith.constant 0 : i32
    %dma_wait3A_191 = tpu.memref_slice %arg6[%dma_wait3A_189, %dma_wait3A_190] : memref<2048x8xf32, #tpu.memory_space<vmem>> -> memref<128x8xf32, #tpu.memory_space<vmem>>
    %dma_wait3A_192 = arith.constant 256 : i32
    %dma_wait3A_193 = tpu.memref_slice %arg5[%dma_wait3A_188, %dma_wait3A_192] : memref<4x512xi32, #tpu.memory_space<vmem>> -> memref<1x128xi32, #tpu.memory_space<vmem>>
    %dma_wait3A_194 = tpu.memref_squeeze %dma_wait3A_193 : memref<1x128xi32, #tpu.memory_space<vmem>> -> memref<128xi32, #tpu.memory_space<vmem>>
    %dma_wait3A_195 = arith.constant 0 : i32
    %dma_wait3A_196 = arith.constant 0 : i32
    %dma_wait3A_197 = tpu.memref_slice %arg2[%dma_wait3A_195, %dma_wait3A_196] : memref<4096x8xf32, #tpu.memory_space<hbm>> -> memref<4096x8xf32, #tpu.memory_space<hbm>>
    tpu.wait_indirect_dma semaphore(%arg8 : memref<!tpu.dma_semaphore, #tpu.memory_space<semaphore_mem>>) src(%dma_wait3A_197 : memref<4096x8xf32, #tpu.memory_space<hbm>>) dst(%dma_wait3A_191 : memref<128x8xf32, #tpu.memory_space<vmem>>)
    %dma_wait3A_198 = arith.constant 0 : i32
    %dma_wait3A_199 = arith.constant 384 : i32
    %dma_wait3A_200 = arith.constant 0 : i32
    %dma_wait3A_201 = tpu.memref_slice %arg6[%dma_wait3A_199, %dma_wait3A_200] : memref<2048x8xf32, #tpu.memory_space<vmem>> -> memref<128x8xf32, #tpu.memory_space<vmem>>
    %dma_wait3A_202 = arith.constant 384 : i32
    %dma_wait3A_203 = tpu.memref_slice %arg5[%dma_wait3A_198, %dma_wait3A_202] : memref<4x512xi32, #tpu.memory_space<vmem>> -> memref<1x128xi32, #tpu.memory_space<vmem>>
    %dma_wait3A_204 = tpu.memref_squeeze %dma_wait3A_203 : memref<1x128xi32, #tpu.memory_space<vmem>> -> memref<128xi32, #tpu.memory_space<vmem>>
    %dma_wait3A_205 = arith.constant 0 : i32
    %dma_wait3A_206 = arith.constant 0 : i32
    %dma_wait3A_207 = tpu.memref_slice %arg2[%dma_wait3A_205, %dma_wait3A_206] : memref<4096x8xf32, #tpu.memory_space<hbm>> -> memref<4096x8xf32, #tpu.memory_space<hbm>>
    tpu.wait_indirect_dma semaphore(%arg8 : memref<!tpu.dma_semaphore, #tpu.memory_space<semaphore_mem>>) src(%dma_wait3A_207 : memref<4096x8xf32, #tpu.memory_space<hbm>>) dst(%dma_wait3A_201 : memref<128x8xf32, #tpu.memory_space<vmem>>)
    %dma_wait3A_208 = arith.constant 1 : i32
    %dma_wait3A_209 = arith.constant 512 : i32
    %dma_wait3A_210 = arith.constant 0 : i32
    %dma_wait3A_211 = tpu.memref_slice %arg6[%dma_wait3A_209, %dma_wait3A_210] : memref<2048x8xf32, #tpu.memory_space<vmem>> -> memref<128x8xf32, #tpu.memory_space<vmem>>
    %dma_wait3A_212 = arith.constant 0 : i32
    %dma_wait3A_213 = tpu.memref_slice %arg5[%dma_wait3A_208, %dma_wait3A_212] : memref<4x512xi32, #tpu.memory_space<vmem>> -> memref<1x128xi32, #tpu.memory_space<vmem>>
    %dma_wait3A_214 = tpu.memref_squeeze %dma_wait3A_213 : memref<1x128xi32, #tpu.memory_space<vmem>> -> memref<128xi32, #tpu.memory_space<vmem>>
    %dma_wait3A_215 = arith.constant 0 : i32
    %dma_wait3A_216 = arith.constant 0 : i32
    %dma_wait3A_217 = tpu.memref_slice %arg2[%dma_wait3A_215, %dma_wait3A_216] : memref<4096x8xf32, #tpu.memory_space<hbm>> -> memref<4096x8xf32, #tpu.memory_space<hbm>>
    tpu.wait_indirect_dma semaphore(%arg8 : memref<!tpu.dma_semaphore, #tpu.memory_space<semaphore_mem>>) src(%dma_wait3A_217 : memref<4096x8xf32, #tpu.memory_space<hbm>>) dst(%dma_wait3A_211 : memref<128x8xf32, #tpu.memory_space<vmem>>)
    %dma_wait3A_218 = arith.constant 1 : i32
    %dma_wait3A_219 = arith.constant 640 : i32
    %dma_wait3A_220 = arith.constant 0 : i32
    %dma_wait3A_221 = tpu.memref_slice %arg6[%dma_wait3A_219, %dma_wait3A_220] : memref<2048x8xf32, #tpu.memory_space<vmem>> -> memref<128x8xf32, #tpu.memory_space<vmem>>
    %dma_wait3A_222 = arith.constant 128 : i32
    %dma_wait3A_223 = tpu.memref_slice %arg5[%dma_wait3A_218, %dma_wait3A_222] : memref<4x512xi32, #tpu.memory_space<vmem>> -> memref<1x128xi32, #tpu.memory_space<vmem>>
    %dma_wait3A_224 = tpu.memref_squeeze %dma_wait3A_223 : memref<1x128xi32, #tpu.memory_space<vmem>> -> memref<128xi32, #tpu.memory_space<vmem>>
    %dma_wait3A_225 = arith.constant 0 : i32
    %dma_wait3A_226 = arith.constant 0 : i32
    %dma_wait3A_227 = tpu.memref_slice %arg2[%dma_wait3A_225, %dma_wait3A_226] : memref<4096x8xf32, #tpu.memory_space<hbm>> -> memref<4096x8xf32, #tpu.memory_space<hbm>>
    tpu.wait_indirect_dma semaphore(%arg8 : memref<!tpu.dma_semaphore, #tpu.memory_space<semaphore_mem>>) src(%dma_wait3A_227 : memref<4096x8xf32, #tpu.memory_space<hbm>>) dst(%dma_wait3A_221 : memref<128x8xf32, #tpu.memory_space<vmem>>)
    %dma_wait3A_228 = arith.constant 1 : i32
    %dma_wait3A_229 = arith.constant 768 : i32
    %dma_wait3A_230 = arith.constant 0 : i32
    %dma_wait3A_231 = tpu.memref_slice %arg6[%dma_wait3A_229, %dma_wait3A_230] : memref<2048x8xf32, #tpu.memory_space<vmem>> -> memref<128x8xf32, #tpu.memory_space<vmem>>
    %dma_wait3A_232 = arith.constant 256 : i32
    %dma_wait3A_233 = tpu.memref_slice %arg5[%dma_wait3A_228, %dma_wait3A_232] : memref<4x512xi32, #tpu.memory_space<vmem>> -> memref<1x128xi32, #tpu.memory_space<vmem>>
    %dma_wait3A_234 = tpu.memref_squeeze %dma_wait3A_233 : memref<1x128xi32, #tpu.memory_space<vmem>> -> memref<128xi32, #tpu.memory_space<vmem>>
    %dma_wait3A_235 = arith.constant 0 : i32
    %dma_wait3A_236 = arith.constant 0 : i32
    %dma_wait3A_237 = tpu.memref_slice %arg2[%dma_wait3A_235, %dma_wait3A_236] : memref<4096x8xf32, #tpu.memory_space<hbm>> -> memref<4096x8xf32, #tpu.memory_space<hbm>>
    tpu.wait_indirect_dma semaphore(%arg8 : memref<!tpu.dma_semaphore, #tpu.memory_space<semaphore_mem>>) src(%dma_wait3A_237 : memref<4096x8xf32, #tpu.memory_space<hbm>>) dst(%dma_wait3A_231 : memref<128x8xf32, #tpu.memory_space<vmem>>)
    %dma_wait3A_238 = arith.constant 1 : i32
    %dma_wait3A_239 = arith.constant 896 : i32
    %dma_wait3A_240 = arith.constant 0 : i32
    %dma_wait3A_241 = tpu.memref_slice %arg6[%dma_wait3A_239, %dma_wait3A_240] : memref<2048x8xf32, #tpu.memory_space<vmem>> -> memref<128x8xf32, #tpu.memory_space<vmem>>
    %dma_wait3A_242 = arith.constant 384 : i32
    %dma_wait3A_243 = tpu.memref_slice %arg5[%dma_wait3A_238, %dma_wait3A_242] : memref<4x512xi32, #tpu.memory_space<vmem>> -> memref<1x128xi32, #tpu.memory_space<vmem>>
    %dma_wait3A_244 = tpu.memref_squeeze %dma_wait3A_243 : memref<1x128xi32, #tpu.memory_space<vmem>> -> memref<128xi32, #tpu.memory_space<vmem>>
    %dma_wait3A_245 = arith.constant 0 : i32
    %dma_wait3A_246 = arith.constant 0 : i32
    %dma_wait3A_247 = tpu.memref_slice %arg2[%dma_wait3A_245, %dma_wait3A_246] : memref<4096x8xf32, #tpu.memory_space<hbm>> -> memref<4096x8xf32, #tpu.memory_space<hbm>>
    tpu.wait_indirect_dma semaphore(%arg8 : memref<!tpu.dma_semaphore, #tpu.memory_space<semaphore_mem>>) src(%dma_wait3A_247 : memref<4096x8xf32, #tpu.memory_space<hbm>>) dst(%dma_wait3A_241 : memref<128x8xf32, #tpu.memory_space<vmem>>)
    %dma_wait3A_248 = arith.constant 2 : i32
    %dma_wait3A_249 = arith.constant 1024 : i32
    %dma_wait3A_250 = arith.constant 0 : i32
    %dma_wait3A_251 = tpu.memref_slice %arg6[%dma_wait3A_249, %dma_wait3A_250] : memref<2048x8xf32, #tpu.memory_space<vmem>> -> memref<128x8xf32, #tpu.memory_space<vmem>>
    %dma_wait3A_252 = arith.constant 0 : i32
    %dma_wait3A_253 = tpu.memref_slice %arg5[%dma_wait3A_248, %dma_wait3A_252] : memref<4x512xi32, #tpu.memory_space<vmem>> -> memref<1x128xi32, #tpu.memory_space<vmem>>
    %dma_wait3A_254 = tpu.memref_squeeze %dma_wait3A_253 : memref<1x128xi32, #tpu.memory_space<vmem>> -> memref<128xi32, #tpu.memory_space<vmem>>
    %dma_wait3A_255 = arith.constant 0 : i32
    %dma_wait3A_256 = arith.constant 0 : i32
    %dma_wait3A_257 = tpu.memref_slice %arg2[%dma_wait3A_255, %dma_wait3A_256] : memref<4096x8xf32, #tpu.memory_space<hbm>> -> memref<4096x8xf32, #tpu.memory_space<hbm>>
    tpu.wait_indirect_dma semaphore(%arg8 : memref<!tpu.dma_semaphore, #tpu.memory_space<semaphore_mem>>) src(%dma_wait3A_257 : memref<4096x8xf32, #tpu.memory_space<hbm>>) dst(%dma_wait3A_251 : memref<128x8xf32, #tpu.memory_space<vmem>>)
    %dma_wait3A_258 = arith.constant 2 : i32
    %dma_wait3A_259 = arith.constant 1152 : i32
    %dma_wait3A_260 = arith.constant 0 : i32
    %dma_wait3A_261 = tpu.memref_slice %arg6[%dma_wait3A_259, %dma_wait3A_260] : memref<2048x8xf32, #tpu.memory_space<vmem>> -> memref<128x8xf32, #tpu.memory_space<vmem>>
    %dma_wait3A_262 = arith.constant 128 : i32
    %dma_wait3A_263 = tpu.memref_slice %arg5[%dma_wait3A_258, %dma_wait3A_262] : memref<4x512xi32, #tpu.memory_space<vmem>> -> memref<1x128xi32, #tpu.memory_space<vmem>>
    %dma_wait3A_264 = tpu.memref_squeeze %dma_wait3A_263 : memref<1x128xi32, #tpu.memory_space<vmem>> -> memref<128xi32, #tpu.memory_space<vmem>>
    %dma_wait3A_265 = arith.constant 0 : i32
    %dma_wait3A_266 = arith.constant 0 : i32
    %dma_wait3A_267 = tpu.memref_slice %arg2[%dma_wait3A_265, %dma_wait3A_266] : memref<4096x8xf32, #tpu.memory_space<hbm>> -> memref<4096x8xf32, #tpu.memory_space<hbm>>
    tpu.wait_indirect_dma semaphore(%arg8 : memref<!tpu.dma_semaphore, #tpu.memory_space<semaphore_mem>>) src(%dma_wait3A_267 : memref<4096x8xf32, #tpu.memory_space<hbm>>) dst(%dma_wait3A_261 : memref<128x8xf32, #tpu.memory_space<vmem>>)
    %dma_wait3A_268 = arith.constant 2 : i32
    %dma_wait3A_269 = arith.constant 1280 : i32
    %dma_wait3A_270 = arith.constant 0 : i32
    %dma_wait3A_271 = tpu.memref_slice %arg6[%dma_wait3A_269, %dma_wait3A_270] : memref<2048x8xf32, #tpu.memory_space<vmem>> -> memref<128x8xf32, #tpu.memory_space<vmem>>
    %dma_wait3A_272 = arith.constant 256 : i32
    %dma_wait3A_273 = tpu.memref_slice %arg5[%dma_wait3A_268, %dma_wait3A_272] : memref<4x512xi32, #tpu.memory_space<vmem>> -> memref<1x128xi32, #tpu.memory_space<vmem>>
    %dma_wait3A_274 = tpu.memref_squeeze %dma_wait3A_273 : memref<1x128xi32, #tpu.memory_space<vmem>> -> memref<128xi32, #tpu.memory_space<vmem>>
    %dma_wait3A_275 = arith.constant 0 : i32
    %dma_wait3A_276 = arith.constant 0 : i32
    %dma_wait3A_277 = tpu.memref_slice %arg2[%dma_wait3A_275, %dma_wait3A_276] : memref<4096x8xf32, #tpu.memory_space<hbm>> -> memref<4096x8xf32, #tpu.memory_space<hbm>>
    tpu.wait_indirect_dma semaphore(%arg8 : memref<!tpu.dma_semaphore, #tpu.memory_space<semaphore_mem>>) src(%dma_wait3A_277 : memref<4096x8xf32, #tpu.memory_space<hbm>>) dst(%dma_wait3A_271 : memref<128x8xf32, #tpu.memory_space<vmem>>)
    %dma_wait3A_278 = arith.constant 2 : i32
    %dma_wait3A_279 = arith.constant 1408 : i32
    %dma_wait3A_280 = arith.constant 0 : i32
    %dma_wait3A_281 = tpu.memref_slice %arg6[%dma_wait3A_279, %dma_wait3A_280] : memref<2048x8xf32, #tpu.memory_space<vmem>> -> memref<128x8xf32, #tpu.memory_space<vmem>>
    %dma_wait3A_282 = arith.constant 384 : i32
    %dma_wait3A_283 = tpu.memref_slice %arg5[%dma_wait3A_278, %dma_wait3A_282] : memref<4x512xi32, #tpu.memory_space<vmem>> -> memref<1x128xi32, #tpu.memory_space<vmem>>
    %dma_wait3A_284 = tpu.memref_squeeze %dma_wait3A_283 : memref<1x128xi32, #tpu.memory_space<vmem>> -> memref<128xi32, #tpu.memory_space<vmem>>
    %dma_wait3A_285 = arith.constant 0 : i32
    %dma_wait3A_286 = arith.constant 0 : i32
    %dma_wait3A_287 = tpu.memref_slice %arg2[%dma_wait3A_285, %dma_wait3A_286] : memref<4096x8xf32, #tpu.memory_space<hbm>> -> memref<4096x8xf32, #tpu.memory_space<hbm>>
    tpu.wait_indirect_dma semaphore(%arg8 : memref<!tpu.dma_semaphore, #tpu.memory_space<semaphore_mem>>) src(%dma_wait3A_287 : memref<4096x8xf32, #tpu.memory_space<hbm>>) dst(%dma_wait3A_281 : memref<128x8xf32, #tpu.memory_space<vmem>>)
    %dma_wait3A_288 = arith.constant 3 : i32
    %dma_wait3A_289 = arith.constant 1536 : i32
    %dma_wait3A_290 = arith.constant 0 : i32
    %dma_wait3A_291 = tpu.memref_slice %arg6[%dma_wait3A_289, %dma_wait3A_290] : memref<2048x8xf32, #tpu.memory_space<vmem>> -> memref<128x8xf32, #tpu.memory_space<vmem>>
    %dma_wait3A_292 = arith.constant 0 : i32
    %dma_wait3A_293 = tpu.memref_slice %arg5[%dma_wait3A_288, %dma_wait3A_292] : memref<4x512xi32, #tpu.memory_space<vmem>> -> memref<1x128xi32, #tpu.memory_space<vmem>>
    %dma_wait3A_294 = tpu.memref_squeeze %dma_wait3A_293 : memref<1x128xi32, #tpu.memory_space<vmem>> -> memref<128xi32, #tpu.memory_space<vmem>>
    %dma_wait3A_295 = arith.constant 0 : i32
    %dma_wait3A_296 = arith.constant 0 : i32
    %dma_wait3A_297 = tpu.memref_slice %arg2[%dma_wait3A_295, %dma_wait3A_296] : memref<4096x8xf32, #tpu.memory_space<hbm>> -> memref<4096x8xf32, #tpu.memory_space<hbm>>
    tpu.wait_indirect_dma semaphore(%arg8 : memref<!tpu.dma_semaphore, #tpu.memory_space<semaphore_mem>>) src(%dma_wait3A_297 : memref<4096x8xf32, #tpu.memory_space<hbm>>) dst(%dma_wait3A_291 : memref<128x8xf32, #tpu.memory_space<vmem>>)
    %dma_wait3A_298 = arith.constant 3 : i32
    %dma_wait3A_299 = arith.constant 1664 : i32
    %dma_wait3A_300 = arith.constant 0 : i32
    %dma_wait3A_301 = tpu.memref_slice %arg6[%dma_wait3A_299, %dma_wait3A_300] : memref<2048x8xf32, #tpu.memory_space<vmem>> -> memref<128x8xf32, #tpu.memory_space<vmem>>
    %dma_wait3A_302 = arith.constant 128 : i32
    %dma_wait3A_303 = tpu.memref_slice %arg5[%dma_wait3A_298, %dma_wait3A_302] : memref<4x512xi32, #tpu.memory_space<vmem>> -> memref<1x128xi32, #tpu.memory_space<vmem>>
    %dma_wait3A_304 = tpu.memref_squeeze %dma_wait3A_303 : memref<1x128xi32, #tpu.memory_space<vmem>> -> memref<128xi32, #tpu.memory_space<vmem>>
    %dma_wait3A_305 = arith.constant 0 : i32
    %dma_wait3A_306 = arith.constant 0 : i32
    %dma_wait3A_307 = tpu.memref_slice %arg2[%dma_wait3A_305, %dma_wait3A_306] : memref<4096x8xf32, #tpu.memory_space<hbm>> -> memref<4096x8xf32, #tpu.memory_space<hbm>>
    tpu.wait_indirect_dma semaphore(%arg8 : memref<!tpu.dma_semaphore, #tpu.memory_space<semaphore_mem>>) src(%dma_wait3A_307 : memref<4096x8xf32, #tpu.memory_space<hbm>>) dst(%dma_wait3A_301 : memref<128x8xf32, #tpu.memory_space<vmem>>)
    %dma_wait3A_308 = arith.constant 3 : i32
    %dma_wait3A_309 = arith.constant 1792 : i32
    %dma_wait3A_310 = arith.constant 0 : i32
    %dma_wait3A_311 = tpu.memref_slice %arg6[%dma_wait3A_309, %dma_wait3A_310] : memref<2048x8xf32, #tpu.memory_space<vmem>> -> memref<128x8xf32, #tpu.memory_space<vmem>>
    %dma_wait3A_312 = arith.constant 256 : i32
    %dma_wait3A_313 = tpu.memref_slice %arg5[%dma_wait3A_308, %dma_wait3A_312] : memref<4x512xi32, #tpu.memory_space<vmem>> -> memref<1x128xi32, #tpu.memory_space<vmem>>
    %dma_wait3A_314 = tpu.memref_squeeze %dma_wait3A_313 : memref<1x128xi32, #tpu.memory_space<vmem>> -> memref<128xi32, #tpu.memory_space<vmem>>
    %dma_wait3A_315 = arith.constant 0 : i32
    %dma_wait3A_316 = arith.constant 0 : i32
    %dma_wait3A_317 = tpu.memref_slice %arg2[%dma_wait3A_315, %dma_wait3A_316] : memref<4096x8xf32, #tpu.memory_space<hbm>> -> memref<4096x8xf32, #tpu.memory_space<hbm>>
    tpu.wait_indirect_dma semaphore(%arg8 : memref<!tpu.dma_semaphore, #tpu.memory_space<semaphore_mem>>) src(%dma_wait3A_317 : memref<4096x8xf32, #tpu.memory_space<hbm>>) dst(%dma_wait3A_311 : memref<128x8xf32, #tpu.memory_space<vmem>>)
    %dma_wait3A_318 = arith.constant 3 : i32
    %dma_wait3A_319 = arith.constant 1920 : i32
    %dma_wait3A_320 = arith.constant 0 : i32
    %dma_wait3A_321 = tpu.memref_slice %arg6[%dma_wait3A_319, %dma_wait3A_320] : memref<2048x8xf32, #tpu.memory_space<vmem>> -> memref<128x8xf32, #tpu.memory_space<vmem>>
    %dma_wait3A_322 = arith.constant 384 : i32
    %dma_wait3A_323 = tpu.memref_slice %arg5[%dma_wait3A_318, %dma_wait3A_322] : memref<4x512xi32, #tpu.memory_space<vmem>> -> memref<1x128xi32, #tpu.memory_space<vmem>>
    %dma_wait3A_324 = tpu.memref_squeeze %dma_wait3A_323 : memref<1x128xi32, #tpu.memory_space<vmem>> -> memref<128xi32, #tpu.memory_space<vmem>>
    %dma_wait3A_325 = arith.constant 0 : i32
    %dma_wait3A_326 = arith.constant 0 : i32
    %dma_wait3A_327 = tpu.memref_slice %arg2[%dma_wait3A_325, %dma_wait3A_326] : memref<4096x8xf32, #tpu.memory_space<hbm>> -> memref<4096x8xf32, #tpu.memory_space<hbm>>
    tpu.wait_indirect_dma semaphore(%arg8 : memref<!tpu.dma_semaphore, #tpu.memory_space<semaphore_mem>>) src(%dma_wait3A_327 : memref<4096x8xf32, #tpu.memory_space<hbm>>) dst(%dma_wait3A_321 : memref<128x8xf32, #tpu.memory_space<vmem>>)
    %iota3A = tpu.iota {dimensions = array<i32: 0>} : vector<16xi32>
    %scan3A = arith.constant 0 : i32
    %scan3A_328 = arith.constant 8 : i32
    %scan3A_329 = arith.addi %scan3A, %scan3A_328 : i32
    %scan3A_330 = arith.constant 1 : i32
    scf.for %scan3A_349 = %scan3A to %scan3A_329 step %scan3A_330  : i32 {
      %mul3A_350 = arith.constant 16 : i32
      %mul3A_351 = arith.muli %scan3A_349, %mul3A_350 : i32
      %add3A_352 = arith.constant 0 : i32
      %add3A_353 = arith.addi %add3A_352, %mul3A_351 : i32
      %add3A_354 = arith.constant 0 : i32
      %add3A_355 = arith.addi %add3A_354, %add3A_353 : i32
      %add3A_356 = arith.constant 0 : i32
      %add3A_357 = arith.addi %add3A_356, %add3A_355 : i32
      %add3A_358 = vector.broadcast %add3A_357 : i32 to vector<16xi32>
      %add3A_359 = arith.addi %iota3A, %add3A_358 : vector<16xi32>
      %broadcast_in_dim3A = arith.constant 0 : i32
      %broadcast_in_dim3A_360 = vector.broadcast %broadcast_in_dim3A : i32 to vector<16xi32>
      %gather3A = tpu.vector_load_idx %arg6[%add3A_359, %broadcast_in_dim3A_360] : memref<2048x8xf32, #tpu.memory_space<vmem>>[vector<16xi32>, vector<16xi32>], vector<16xf32>,
      %swap3A = arith.constant 0 : i32
      %swap3A_361 = arith.constant 0 : i32
      %swap3A_362 = arith.index_cast %swap3A : i32 to index
      %swap3A_363 = arith.index_cast %swap3A_361 : i32 to index
      %swap3A_364 = arith.index_cast %add3A_353 : i32 to index
      %swap3A_365 = tpu.vector_load %arg7[%swap3A_362, %swap3A_363, %swap3A_364] {strides = array<i32>} : memref<12x4x128xf32, #tpu.memory_space<vmem>>, vector<16xf32>,
      tpu.vector_store %arg7[%swap3A_362, %swap3A_363, %swap3A_364], %gather3A {strides = array<i32>} : memref<12x4x128xf32, #tpu.memory_space<vmem>>, vector<16xf32>,
      %broadcast_in_dim3A_366 = arith.constant 1 : i32
      %broadcast_in_dim3A_367 = vector.broadcast %broadcast_in_dim3A_366 : i32 to vector<16xi32>
      %gather3A_368 = tpu.vector_load_idx %arg6[%add3A_359, %broadcast_in_dim3A_367] : memref<2048x8xf32, #tpu.memory_space<vmem>>[vector<16xi32>, vector<16xi32>], vector<16xf32>,
      %swap3A_369 = arith.constant 1 : i32
      %swap3A_370 = arith.constant 0 : i32
      %swap3A_371 = arith.index_cast %swap3A_369 : i32 to index
      %swap3A_372 = arith.index_cast %swap3A_370 : i32 to index
      %swap3A_373 = arith.index_cast %add3A_353 : i32 to index
      %swap3A_374 = tpu.vector_load %arg7[%swap3A_371, %swap3A_372, %swap3A_373] {strides = array<i32>} : memref<12x4x128xf32, #tpu.memory_space<vmem>>, vector<16xf32>,
      tpu.vector_store %arg7[%swap3A_371, %swap3A_372, %swap3A_373], %gather3A_368 {strides = array<i32>} : memref<12x4x128xf32, #tpu.memory_space<vmem>>, vector<16xf32>,
      %broadcast_in_dim3A_375 = arith.constant 2 : i32
      %broadcast_in_dim3A_376 = vector.broadcast %broadcast_in_dim3A_375 : i32 to vector<16xi32>
      %gather3A_377 = tpu.vector_load_idx %arg6[%add3A_359, %broadcast_in_dim3A_376] : memref<2048x8xf32, #tpu.memory_space<vmem>>[vector<16xi32>, vector<16xi32>], vector<16xf32>,
      %swap3A_378 = arith.constant 2 : i32
      %swap3A_379 = arith.constant 0 : i32
      %swap3A_380 = arith.index_cast %swap3A_378 : i32 to index
      %swap3A_381 = arith.index_cast %swap3A_379 : i32 to index
      %swap3A_382 = arith.index_cast %add3A_353 : i32 to index
      %swap3A_383 = tpu.vector_load %arg7[%swap3A_380, %swap3A_381, %swap3A_382] {strides = array<i32>} : memref<12x4x128xf32, #tpu.memory_space<vmem>>, vector<16xf32>,
      tpu.vector_store %arg7[%swap3A_380, %swap3A_381, %swap3A_382], %gather3A_377 {strides = array<i32>} : memref<12x4x128xf32, #tpu.memory_space<vmem>>, vector<16xf32>,
      %add3A_384 = arith.constant 512 : i32
      %add3A_385 = arith.addi %add3A_384, %add3A_355 : i32
      %add3A_386 = vector.broadcast %add3A_385 : i32 to vector<16xi32>
      %add3A_387 = arith.addi %iota3A, %add3A_386 : vector<16xi32>
      %broadcast_in_dim3A_388 = arith.constant 0 : i32
      %broadcast_in_dim3A_389 = vector.broadcast %broadcast_in_dim3A_388 : i32 to vector<16xi32>
      %gather3A_390 = tpu.vector_load_idx %arg6[%add3A_387, %broadcast_in_dim3A_389] : memref<2048x8xf32, #tpu.memory_space<vmem>>[vector<16xi32>, vector<16xi32>], vector<16xf32>,
      %swap3A_391 = arith.constant 3 : i32
      %swap3A_392 = arith.constant 0 : i32
      %swap3A_393 = arith.index_cast %swap3A_391 : i32 to index
      %swap3A_394 = arith.index_cast %swap3A_392 : i32 to index
      %swap3A_395 = arith.index_cast %add3A_353 : i32 to index
      %swap3A_396 = tpu.vector_load %arg7[%swap3A_393, %swap3A_394, %swap3A_395] {strides = array<i32>} : memref<12x4x128xf32, #tpu.memory_space<vmem>>, vector<16xf32>,
      tpu.vector_store %arg7[%swap3A_393, %swap3A_394, %swap3A_395], %gather3A_390 {strides = array<i32>} : memref<12x4x128xf32, #tpu.memory_space<vmem>>, vector<16xf32>,
      %broadcast_in_dim3A_397 = arith.constant 1 : i32
      %broadcast_in_dim3A_398 = vector.broadcast %broadcast_in_dim3A_397 : i32 to vector<16xi32>
      %gather3A_399 = tpu.vector_load_idx %arg6[%add3A_387, %broadcast_in_dim3A_398] : memref<2048x8xf32, #tpu.memory_space<vmem>>[vector<16xi32>, vector<16xi32>], vector<16xf32>,
      %swap3A_400 = arith.constant 4 : i32
      %swap3A_401 = arith.constant 0 : i32
      %swap3A_402 = arith.index_cast %swap3A_400 : i32 to index
      %swap3A_403 = arith.index_cast %swap3A_401 : i32 to index
      %swap3A_404 = arith.index_cast %add3A_353 : i32 to index
      %swap3A_405 = tpu.vector_load %arg7[%swap3A_402, %swap3A_403, %swap3A_404] {strides = array<i32>} : memref<12x4x128xf32, #tpu.memory_space<vmem>>, vector<16xf32>,
      tpu.vector_store %arg7[%swap3A_402, %swap3A_403, %swap3A_404], %gather3A_399 {strides = array<i32>} : memref<12x4x128xf32, #tpu.memory_space<vmem>>, vector<16xf32>,
      %broadcast_in_dim3A_406 = arith.constant 2 : i32
      %broadcast_in_dim3A_407 = vector.broadcast %broadcast_in_dim3A_406 : i32 to vector<16xi32>
      %gather3A_408 = tpu.vector_load_idx %arg6[%add3A_387, %broadcast_in_dim3A_407] : memref<2048x8xf32, #tpu.memory_space<vmem>>[vector<16xi32>, vector<16xi32>], vector<16xf32>,
      %swap3A_409 = arith.constant 5 : i32
      %swap3A_410 = arith.constant 0 : i32
      %swap3A_411 = arith.index_cast %swap3A_409 : i32 to index
      %swap3A_412 = arith.index_cast %swap3A_410 : i32 to index
      %swap3A_413 = arith.index_cast %add3A_353 : i32 to index
      %swap3A_414 = tpu.vector_load %arg7[%swap3A_411, %swap3A_412, %swap3A_413] {strides = array<i32>} : memref<12x4x128xf32, #tpu.memory_space<vmem>>, vector<16xf32>,
      tpu.vector_store %arg7[%swap3A_411, %swap3A_412, %swap3A_413], %gather3A_408 {strides = array<i32>} : memref<12x4x128xf32, #tpu.memory_space<vmem>>, vector<16xf32>,
      %add3A_415 = arith.constant 1024 : i32
      %add3A_416 = arith.addi %add3A_415, %add3A_355 : i32
      %add3A_417 = vector.broadcast %add3A_416 : i32 to vector<16xi32>
      %add3A_418 = arith.addi %iota3A, %add3A_417 : vector<16xi32>
      %broadcast_in_dim3A_419 = arith.constant 0 : i32
      %broadcast_in_dim3A_420 = vector.broadcast %broadcast_in_dim3A_419 : i32 to vector<16xi32>
      %gather3A_421 = tpu.vector_load_idx %arg6[%add3A_418, %broadcast_in_dim3A_420] : memref<2048x8xf32, #tpu.memory_space<vmem>>[vector<16xi32>, vector<16xi32>], vector<16xf32>,
      %swap3A_422 = arith.constant 6 : i32
      %swap3A_423 = arith.constant 0 : i32
      %swap3A_424 = arith.index_cast %swap3A_422 : i32 to index
      %swap3A_425 = arith.index_cast %swap3A_423 : i32 to index
      %swap3A_426 = arith.index_cast %add3A_353 : i32 to index
      %swap3A_427 = tpu.vector_load %arg7[%swap3A_424, %swap3A_425, %swap3A_426] {strides = array<i32>} : memref<12x4x128xf32, #tpu.memory_space<vmem>>, vector<16xf32>,
      tpu.vector_store %arg7[%swap3A_424, %swap3A_425, %swap3A_426], %gather3A_421 {strides = array<i32>} : memref<12x4x128xf32, #tpu.memory_space<vmem>>, vector<16xf32>,
      %broadcast_in_dim3A_428 = arith.constant 1 : i32
      %broadcast_in_dim3A_429 = vector.broadcast %broadcast_in_dim3A_428 : i32 to vector<16xi32>
      %gather3A_430 = tpu.vector_load_idx %arg6[%add3A_418, %broadcast_in_dim3A_429] : memref<2048x8xf32, #tpu.memory_space<vmem>>[vector<16xi32>, vector<16xi32>], vector<16xf32>,
      %swap3A_431 = arith.constant 7 : i32
      %swap3A_432 = arith.constant 0 : i32
      %swap3A_433 = arith.index_cast %swap3A_431 : i32 to index
      %swap3A_434 = arith.index_cast %swap3A_432 : i32 to index
      %swap3A_435 = arith.index_cast %add3A_353 : i32 to index
      %swap3A_436 = tpu.vector_load %arg7[%swap3A_433, %swap3A_434, %swap3A_435] {strides = array<i32>} : memref<12x4x128xf32, #tpu.memory_space<vmem>>, vector<16xf32>,
      tpu.vector_store %arg7[%swap3A_433, %swap3A_434, %swap3A_435], %gather3A_430 {strides = array<i32>} : memref<12x4x128xf32, #tpu.memory_space<vmem>>, vector<16xf32>,
      %broadcast_in_dim3A_437 = arith.constant 2 : i32
      %broadcast_in_dim3A_438 = vector.broadcast %broadcast_in_dim3A_437 : i32 to vector<16xi32>
      %gather3A_439 = tpu.vector_load_idx %arg6[%add3A_418, %broadcast_in_dim3A_438] : memref<2048x8xf32, #tpu.memory_space<vmem>>[vector<16xi32>, vector<16xi32>], vector<16xf32>,
      %swap3A_440 = arith.constant 8 : i32
      %swap3A_441 = arith.constant 0 : i32
      %swap3A_442 = arith.index_cast %swap3A_440 : i32 to index
      %swap3A_443 = arith.index_cast %swap3A_441 : i32 to index
      %swap3A_444 = arith.index_cast %add3A_353 : i32 to index
      %swap3A_445 = tpu.vector_load %arg7[%swap3A_442, %swap3A_443, %swap3A_444] {strides = array<i32>} : memref<12x4x128xf32, #tpu.memory_space<vmem>>, vector<16xf32>,
      tpu.vector_store %arg7[%swap3A_442, %swap3A_443, %swap3A_444], %gather3A_439 {strides = array<i32>} : memref<12x4x128xf32, #tpu.memory_space<vmem>>, vector<16xf32>,
      %add3A_446 = arith.constant 1536 : i32
      %add3A_447 = arith.addi %add3A_446, %add3A_355 : i32
      %add3A_448 = vector.broadcast %add3A_447 : i32 to vector<16xi32>
      %add3A_449 = arith.addi %iota3A, %add3A_448 : vector<16xi32>
      %broadcast_in_dim3A_450 = arith.constant 0 : i32
      %broadcast_in_dim3A_451 = vector.broadcast %broadcast_in_dim3A_450 : i32 to vector<16xi32>
      %gather3A_452 = tpu.vector_load_idx %arg6[%add3A_449, %broadcast_in_dim3A_451] : memref<2048x8xf32, #tpu.memory_space<vmem>>[vector<16xi32>, vector<16xi32>], vector<16xf32>,
      %swap3A_453 = arith.constant 9 : i32
      %swap3A_454 = arith.constant 0 : i32
      %swap3A_455 = arith.index_cast %swap3A_453 : i32 to index
      %swap3A_456 = arith.index_cast %swap3A_454 : i32 to index
      %swap3A_457 = arith.index_cast %add3A_353 : i32 to index
      %swap3A_458 = tpu.vector_load %arg7[%swap3A_455, %swap3A_456, %swap3A_457] {strides = array<i32>} : memref<12x4x128xf32, #tpu.memory_space<vmem>>, vector<16xf32>,
      tpu.vector_store %arg7[%swap3A_455, %swap3A_456, %swap3A_457], %gather3A_452 {strides = array<i32>} : memref<12x4x128xf32, #tpu.memory_space<vmem>>, vector<16xf32>,
      %broadcast_in_dim3A_459 = arith.constant 1 : i32
      %broadcast_in_dim3A_460 = vector.broadcast %broadcast_in_dim3A_459 : i32 to vector<16xi32>
      %gather3A_461 = tpu.vector_load_idx %arg6[%add3A_449, %broadcast_in_dim3A_460] : memref<2048x8xf32, #tpu.memory_space<vmem>>[vector<16xi32>, vector<16xi32>], vector<16xf32>,
      %swap3A_462 = arith.constant 10 : i32
      %swap3A_463 = arith.constant 0 : i32
      %swap3A_464 = arith.index_cast %swap3A_462 : i32 to index
      %swap3A_465 = arith.index_cast %swap3A_463 : i32 to index
      %swap3A_466 = arith.index_cast %add3A_353 : i32 to index
      %swap3A_467 = tpu.vector_load %arg7[%swap3A_464, %swap3A_465, %swap3A_466] {strides = array<i32>} : memref<12x4x128xf32, #tpu.memory_space<vmem>>, vector<16xf32>,
      tpu.vector_store %arg7[%swap3A_464, %swap3A_465, %swap3A_466], %gather3A_461 {strides = array<i32>} : memref<12x4x128xf32, #tpu.memory_space<vmem>>, vector<16xf32>,
      %broadcast_in_dim3A_468 = arith.constant 2 : i32
      %broadcast_in_dim3A_469 = vector.broadcast %broadcast_in_dim3A_468 : i32 to vector<16xi32>
      %gather3A_470 = tpu.vector_load_idx %arg6[%add3A_449, %broadcast_in_dim3A_469] : memref<2048x8xf32, #tpu.memory_space<vmem>>[vector<16xi32>, vector<16xi32>], vector<16xf32>,
      %swap3A_471 = arith.constant 11 : i32
      %swap3A_472 = arith.constant 0 : i32
      %swap3A_473 = arith.index_cast %swap3A_471 : i32 to index
      %swap3A_474 = arith.index_cast %swap3A_472 : i32 to index
      %swap3A_475 = arith.index_cast %add3A_353 : i32 to index
      %swap3A_476 = tpu.vector_load %arg7[%swap3A_473, %swap3A_474, %swap3A_475] {strides = array<i32>} : memref<12x4x128xf32, #tpu.memory_space<vmem>>, vector<16xf32>,
      tpu.vector_store %arg7[%swap3A_473, %swap3A_474, %swap3A_475], %gather3A_470 {strides = array<i32>} : memref<12x4x128xf32, #tpu.memory_space<vmem>>, vector<16xf32>,
    }
    %scan3A_331 = arith.constant 8 : i32
    %scan3A_332 = arith.constant 0 : i32
    %scan3A_333 = arith.constant 8 : i32
    %scan3A_334 = arith.addi %scan3A_332, %scan3A_333 : i32
    %scan3A_335 = arith.constant 1 : i32
    scf.for %scan3A_349 = %scan3A_332 to %scan3A_334 step %scan3A_335  : i32 {
      %mul3A_350 = arith.constant 16 : i32
      %mul3A_351 = arith.muli %scan3A_349, %mul3A_350 : i32
      %add3A_352 = arith.constant 0 : i32
      %add3A_353 = arith.addi %add3A_352, %mul3A_351 : i32
      %add3A_354 = arith.constant 128 : i32
      %add3A_355 = arith.addi %add3A_354, %add3A_353 : i32
      %add3A_356 = arith.constant 0 : i32
      %add3A_357 = arith.addi %add3A_356, %add3A_355 : i32
      %add3A_358 = vector.broadcast %add3A_357 : i32 to vector<16xi32>
      %add3A_359 = arith.addi %iota3A, %add3A_358 : vector<16xi32>
      %broadcast_in_dim3A = arith.constant 0 : i32
      %broadcast_in_dim3A_360 = vector.broadcast %broadcast_in_dim3A : i32 to vector<16xi32>
      %gather3A = tpu.vector_load_idx %arg6[%add3A_359, %broadcast_in_dim3A_360] : memref<2048x8xf32, #tpu.memory_space<vmem>>[vector<16xi32>, vector<16xi32>], vector<16xf32>,
      %swap3A = arith.constant 0 : i32
      %swap3A_361 = arith.constant 1 : i32
      %swap3A_362 = arith.index_cast %swap3A : i32 to index
      %swap3A_363 = arith.index_cast %swap3A_361 : i32 to index
      %swap3A_364 = arith.index_cast %add3A_353 : i32 to index
      %swap3A_365 = tpu.vector_load %arg7[%swap3A_362, %swap3A_363, %swap3A_364] {strides = array<i32>} : memref<12x4x128xf32, #tpu.memory_space<vmem>>, vector<16xf32>,
      tpu.vector_store %arg7[%swap3A_362, %swap3A_363, %swap3A_364], %gather3A {strides = array<i32>} : memref<12x4x128xf32, #tpu.memory_space<vmem>>, vector<16xf32>,
      %broadcast_in_dim3A_366 = arith.constant 1 : i32
      %broadcast_in_dim3A_367 = vector.broadcast %broadcast_in_dim3A_366 : i32 to vector<16xi32>
      %gather3A_368 = tpu.vector_load_idx %arg6[%add3A_359, %broadcast_in_dim3A_367] : memref<2048x8xf32, #tpu.memory_space<vmem>>[vector<16xi32>, vector<16xi32>], vector<16xf32>,
      %swap3A_369 = arith.constant 1 : i32
      %swap3A_370 = arith.constant 1 : i32
      %swap3A_371 = arith.index_cast %swap3A_369 : i32 to index
      %swap3A_372 = arith.index_cast %swap3A_370 : i32 to index
      %swap3A_373 = arith.index_cast %add3A_353 : i32 to index
      %swap3A_374 = tpu.vector_load %arg7[%swap3A_371, %swap3A_372, %swap3A_373] {strides = array<i32>} : memref<12x4x128xf32, #tpu.memory_space<vmem>>, vector<16xf32>,
      tpu.vector_store %arg7[%swap3A_371, %swap3A_372, %swap3A_373], %gather3A_368 {strides = array<i32>} : memref<12x4x128xf32, #tpu.memory_space<vmem>>, vector<16xf32>,
      %broadcast_in_dim3A_375 = arith.constant 2 : i32
      %broadcast_in_dim3A_376 = vector.broadcast %broadcast_in_dim3A_375 : i32 to vector<16xi32>
      %gather3A_377 = tpu.vector_load_idx %arg6[%add3A_359, %broadcast_in_dim3A_376] : memref<2048x8xf32, #tpu.memory_space<vmem>>[vector<16xi32>, vector<16xi32>], vector<16xf32>,
      %swap3A_378 = arith.constant 2 : i32
      %swap3A_379 = arith.constant 1 : i32
      %swap3A_380 = arith.index_cast %swap3A_378 : i32 to index
      %swap3A_381 = arith.index_cast %swap3A_379 : i32 to index
      %swap3A_382 = arith.index_cast %add3A_353 : i32 to index
      %swap3A_383 = tpu.vector_load %arg7[%swap3A_380, %swap3A_381, %swap3A_382] {strides = array<i32>} : memref<12x4x128xf32, #tpu.memory_space<vmem>>, vector<16xf32>,
      tpu.vector_store %arg7[%swap3A_380, %swap3A_381, %swap3A_382], %gather3A_377 {strides = array<i32>} : memref<12x4x128xf32, #tpu.memory_space<vmem>>, vector<16xf32>,
      %add3A_384 = arith.constant 512 : i32
      %add3A_385 = arith.addi %add3A_384, %add3A_355 : i32
      %add3A_386 = vector.broadcast %add3A_385 : i32 to vector<16xi32>
      %add3A_387 = arith.addi %iota3A, %add3A_386 : vector<16xi32>
      %broadcast_in_dim3A_388 = arith.constant 0 : i32
      %broadcast_in_dim3A_389 = vector.broadcast %broadcast_in_dim3A_388 : i32 to vector<16xi32>
      %gather3A_390 = tpu.vector_load_idx %arg6[%add3A_387, %broadcast_in_dim3A_389] : memref<2048x8xf32, #tpu.memory_space<vmem>>[vector<16xi32>, vector<16xi32>], vector<16xf32>,
      %swap3A_391 = arith.constant 3 : i32
      %swap3A_392 = arith.constant 1 : i32
      %swap3A_393 = arith.index_cast %swap3A_391 : i32 to index
      %swap3A_394 = arith.index_cast %swap3A_392 : i32 to index
      %swap3A_395 = arith.index_cast %add3A_353 : i32 to index
      %swap3A_396 = tpu.vector_load %arg7[%swap3A_393, %swap3A_394, %swap3A_395] {strides = array<i32>} : memref<12x4x128xf32, #tpu.memory_space<vmem>>, vector<16xf32>,
      tpu.vector_store %arg7[%swap3A_393, %swap3A_394, %swap3A_395], %gather3A_390 {strides = array<i32>} : memref<12x4x128xf32, #tpu.memory_space<vmem>>, vector<16xf32>,
      %broadcast_in_dim3A_397 = arith.constant 1 : i32
      %broadcast_in_dim3A_398 = vector.broadcast %broadcast_in_dim3A_397 : i32 to vector<16xi32>
      %gather3A_399 = tpu.vector_load_idx %arg6[%add3A_387, %broadcast_in_dim3A_398] : memref<2048x8xf32, #tpu.memory_space<vmem>>[vector<16xi32>, vector<16xi32>], vector<16xf32>,
      %swap3A_400 = arith.constant 4 : i32
      %swap3A_401 = arith.constant 1 : i32
      %swap3A_402 = arith.index_cast %swap3A_400 : i32 to index
      %swap3A_403 = arith.index_cast %swap3A_401 : i32 to index
      %swap3A_404 = arith.index_cast %add3A_353 : i32 to index
      %swap3A_405 = tpu.vector_load %arg7[%swap3A_402, %swap3A_403, %swap3A_404] {strides = array<i32>} : memref<12x4x128xf32, #tpu.memory_space<vmem>>, vector<16xf32>,
      tpu.vector_store %arg7[%swap3A_402, %swap3A_403, %swap3A_404], %gather3A_399 {strides = array<i32>} : memref<12x4x128xf32, #tpu.memory_space<vmem>>, vector<16xf32>,
      %broadcast_in_dim3A_406 = arith.constant 2 : i32
      %broadcast_in_dim3A_407 = vector.broadcast %broadcast_in_dim3A_406 : i32 to vector<16xi32>
      %gather3A_408 = tpu.vector_load_idx %arg6[%add3A_387, %broadcast_in_dim3A_407] : memref<2048x8xf32, #tpu.memory_space<vmem>>[vector<16xi32>, vector<16xi32>], vector<16xf32>,
      %swap3A_409 = arith.constant 5 : i32
      %swap3A_410 = arith.constant 1 : i32
      %swap3A_411 = arith.index_cast %swap3A_409 : i32 to index
      %swap3A_412 = arith.index_cast %swap3A_410 : i32 to index
      %swap3A_413 = arith.index_cast %add3A_353 : i32 to index
      %swap3A_414 = tpu.vector_load %arg7[%swap3A_411, %swap3A_412, %swap3A_413] {strides = array<i32>} : memref<12x4x128xf32, #tpu.memory_space<vmem>>, vector<16xf32>,
      tpu.vector_store %arg7[%swap3A_411, %swap3A_412, %swap3A_413], %gather3A_408 {strides = array<i32>} : memref<12x4x128xf32, #tpu.memory_space<vmem>>, vector<16xf32>,
      %add3A_415 = arith.constant 1024 : i32
      %add3A_416 = arith.addi %add3A_415, %add3A_355 : i32
      %add3A_417 = vector.broadcast %add3A_416 : i32 to vector<16xi32>
      %add3A_418 = arith.addi %iota3A, %add3A_417 : vector<16xi32>
      %broadcast_in_dim3A_419 = arith.constant 0 : i32
      %broadcast_in_dim3A_420 = vector.broadcast %broadcast_in_dim3A_419 : i32 to vector<16xi32>
      %gather3A_421 = tpu.vector_load_idx %arg6[%add3A_418, %broadcast_in_dim3A_420] : memref<2048x8xf32, #tpu.memory_space<vmem>>[vector<16xi32>, vector<16xi32>], vector<16xf32>,
      %swap3A_422 = arith.constant 6 : i32
      %swap3A_423 = arith.constant 1 : i32
      %swap3A_424 = arith.index_cast %swap3A_422 : i32 to index
      %swap3A_425 = arith.index_cast %swap3A_423 : i32 to index
      %swap3A_426 = arith.index_cast %add3A_353 : i32 to index
      %swap3A_427 = tpu.vector_load %arg7[%swap3A_424, %swap3A_425, %swap3A_426] {strides = array<i32>} : memref<12x4x128xf32, #tpu.memory_space<vmem>>, vector<16xf32>,
      tpu.vector_store %arg7[%swap3A_424, %swap3A_425, %swap3A_426], %gather3A_421 {strides = array<i32>} : memref<12x4x128xf32, #tpu.memory_space<vmem>>, vector<16xf32>,
      %broadcast_in_dim3A_428 = arith.constant 1 : i32
      %broadcast_in_dim3A_429 = vector.broadcast %broadcast_in_dim3A_428 : i32 to vector<16xi32>
      %gather3A_430 = tpu.vector_load_idx %arg6[%add3A_418, %broadcast_in_dim3A_429] : memref<2048x8xf32, #tpu.memory_space<vmem>>[vector<16xi32>, vector<16xi32>], vector<16xf32>,
      %swap3A_431 = arith.constant 7 : i32
      %swap3A_432 = arith.constant 1 : i32
      %swap3A_433 = arith.index_cast %swap3A_431 : i32 to index
      %swap3A_434 = arith.index_cast %swap3A_432 : i32 to index
      %swap3A_435 = arith.index_cast %add3A_353 : i32 to index
      %swap3A_436 = tpu.vector_load %arg7[%swap3A_433, %swap3A_434, %swap3A_435] {strides = array<i32>} : memref<12x4x128xf32, #tpu.memory_space<vmem>>, vector<16xf32>,
      tpu.vector_store %arg7[%swap3A_433, %swap3A_434, %swap3A_435], %gather3A_430 {strides = array<i32>} : memref<12x4x128xf32, #tpu.memory_space<vmem>>, vector<16xf32>,
      %broadcast_in_dim3A_437 = arith.constant 2 : i32
      %broadcast_in_dim3A_438 = vector.broadcast %broadcast_in_dim3A_437 : i32 to vector<16xi32>
      %gather3A_439 = tpu.vector_load_idx %arg6[%add3A_418, %broadcast_in_dim3A_438] : memref<2048x8xf32, #tpu.memory_space<vmem>>[vector<16xi32>, vector<16xi32>], vector<16xf32>,
      %swap3A_440 = arith.constant 8 : i32
      %swap3A_441 = arith.constant 1 : i32
      %swap3A_442 = arith.index_cast %swap3A_440 : i32 to index
      %swap3A_443 = arith.index_cast %swap3A_441 : i32 to index
      %swap3A_444 = arith.index_cast %add3A_353 : i32 to index
      %swap3A_445 = tpu.vector_load %arg7[%swap3A_442, %swap3A_443, %swap3A_444] {strides = array<i32>} : memref<12x4x128xf32, #tpu.memory_space<vmem>>, vector<16xf32>,
      tpu.vector_store %arg7[%swap3A_442, %swap3A_443, %swap3A_444], %gather3A_439 {strides = array<i32>} : memref<12x4x128xf32, #tpu.memory_space<vmem>>, vector<16xf32>,
      %add3A_446 = arith.constant 1536 : i32
      %add3A_447 = arith.addi %add3A_446, %add3A_355 : i32
      %add3A_448 = vector.broadcast %add3A_447 : i32 to vector<16xi32>
      %add3A_449 = arith.addi %iota3A, %add3A_448 : vector<16xi32>
      %broadcast_in_dim3A_450 = arith.constant 0 : i32
      %broadcast_in_dim3A_451 = vector.broadcast %broadcast_in_dim3A_450 : i32 to vector<16xi32>
      %gather3A_452 = tpu.vector_load_idx %arg6[%add3A_449, %broadcast_in_dim3A_451] : memref<2048x8xf32, #tpu.memory_space<vmem>>[vector<16xi32>, vector<16xi32>], vector<16xf32>,
      %swap3A_453 = arith.constant 9 : i32
      %swap3A_454 = arith.constant 1 : i32
      %swap3A_455 = arith.index_cast %swap3A_453 : i32 to index
      %swap3A_456 = arith.index_cast %swap3A_454 : i32 to index
      %swap3A_457 = arith.index_cast %add3A_353 : i32 to index
      %swap3A_458 = tpu.vector_load %arg7[%swap3A_455, %swap3A_456, %swap3A_457] {strides = array<i32>} : memref<12x4x128xf32, #tpu.memory_space<vmem>>, vector<16xf32>,
      tpu.vector_store %arg7[%swap3A_455, %swap3A_456, %swap3A_457], %gather3A_452 {strides = array<i32>} : memref<12x4x128xf32, #tpu.memory_space<vmem>>, vector<16xf32>,
      %broadcast_in_dim3A_459 = arith.constant 1 : i32
      %broadcast_in_dim3A_460 = vector.broadcast %broadcast_in_dim3A_459 : i32 to vector<16xi32>
      %gather3A_461 = tpu.vector_load_idx %arg6[%add3A_449, %broadcast_in_dim3A_460] : memref<2048x8xf32, #tpu.memory_space<vmem>>[vector<16xi32>, vector<16xi32>], vector<16xf32>,
      %swap3A_462 = arith.constant 10 : i32
      %swap3A_463 = arith.constant 1 : i32
      %swap3A_464 = arith.index_cast %swap3A_462 : i32 to index
      %swap3A_465 = arith.index_cast %swap3A_463 : i32 to index
      %swap3A_466 = arith.index_cast %add3A_353 : i32 to index
      %swap3A_467 = tpu.vector_load %arg7[%swap3A_464, %swap3A_465, %swap3A_466] {strides = array<i32>} : memref<12x4x128xf32, #tpu.memory_space<vmem>>, vector<16xf32>,
      tpu.vector_store %arg7[%swap3A_464, %swap3A_465, %swap3A_466], %gather3A_461 {strides = array<i32>} : memref<12x4x128xf32, #tpu.memory_space<vmem>>, vector<16xf32>,
      %broadcast_in_dim3A_468 = arith.constant 2 : i32
      %broadcast_in_dim3A_469 = vector.broadcast %broadcast_in_dim3A_468 : i32 to vector<16xi32>
      %gather3A_470 = tpu.vector_load_idx %arg6[%add3A_449, %broadcast_in_dim3A_469] : memref<2048x8xf32, #tpu.memory_space<vmem>>[vector<16xi32>, vector<16xi32>], vector<16xf32>,
      %swap3A_471 = arith.constant 11 : i32
      %swap3A_472 = arith.constant 1 : i32
      %swap3A_473 = arith.index_cast %swap3A_471 : i32 to index
      %swap3A_474 = arith.index_cast %swap3A_472 : i32 to index
      %swap3A_475 = arith.index_cast %add3A_353 : i32 to index
      %swap3A_476 = tpu.vector_load %arg7[%swap3A_473, %swap3A_474, %swap3A_475] {strides = array<i32>} : memref<12x4x128xf32, #tpu.memory_space<vmem>>, vector<16xf32>,
      tpu.vector_store %arg7[%swap3A_473, %swap3A_474, %swap3A_475], %gather3A_470 {strides = array<i32>} : memref<12x4x128xf32, #tpu.memory_space<vmem>>, vector<16xf32>,
    }
    %scan3A_336 = arith.constant 8 : i32
    %scan3A_337 = arith.constant 0 : i32
    %scan3A_338 = arith.constant 8 : i32
    %scan3A_339 = arith.addi %scan3A_337, %scan3A_338 : i32
    %scan3A_340 = arith.constant 1 : i32
    scf.for %scan3A_349 = %scan3A_337 to %scan3A_339 step %scan3A_340  : i32 {
      %mul3A_350 = arith.constant 16 : i32
      %mul3A_351 = arith.muli %scan3A_349, %mul3A_350 : i32
      %add3A_352 = arith.constant 0 : i32
      %add3A_353 = arith.addi %add3A_352, %mul3A_351 : i32
      %add3A_354 = arith.constant 256 : i32
      %add3A_355 = arith.addi %add3A_354, %add3A_353 : i32
      %add3A_356 = arith.constant 0 : i32
      %add3A_357 = arith.addi %add3A_356, %add3A_355 : i32
      %add3A_358 = vector.broadcast %add3A_357 : i32 to vector<16xi32>
      %add3A_359 = arith.addi %iota3A, %add3A_358 : vector<16xi32>
      %broadcast_in_dim3A = arith.constant 0 : i32
      %broadcast_in_dim3A_360 = vector.broadcast %broadcast_in_dim3A : i32 to vector<16xi32>
      %gather3A = tpu.vector_load_idx %arg6[%add3A_359, %broadcast_in_dim3A_360] : memref<2048x8xf32, #tpu.memory_space<vmem>>[vector<16xi32>, vector<16xi32>], vector<16xf32>,
      %swap3A = arith.constant 0 : i32
      %swap3A_361 = arith.constant 2 : i32
      %swap3A_362 = arith.index_cast %swap3A : i32 to index
      %swap3A_363 = arith.index_cast %swap3A_361 : i32 to index
      %swap3A_364 = arith.index_cast %add3A_353 : i32 to index
      %swap3A_365 = tpu.vector_load %arg7[%swap3A_362, %swap3A_363, %swap3A_364] {strides = array<i32>} : memref<12x4x128xf32, #tpu.memory_space<vmem>>, vector<16xf32>,
      tpu.vector_store %arg7[%swap3A_362, %swap3A_363, %swap3A_364], %gather3A {strides = array<i32>} : memref<12x4x128xf32, #tpu.memory_space<vmem>>, vector<16xf32>,
      %broadcast_in_dim3A_366 = arith.constant 1 : i32
      %broadcast_in_dim3A_367 = vector.broadcast %broadcast_in_dim3A_366 : i32 to vector<16xi32>
      %gather3A_368 = tpu.vector_load_idx %arg6[%add3A_359, %broadcast_in_dim3A_367] : memref<2048x8xf32, #tpu.memory_space<vmem>>[vector<16xi32>, vector<16xi32>], vector<16xf32>,
      %swap3A_369 = arith.constant 1 : i32
      %swap3A_370 = arith.constant 2 : i32
      %swap3A_371 = arith.index_cast %swap3A_369 : i32 to index
      %swap3A_372 = arith.index_cast %swap3A_370 : i32 to index
      %swap3A_373 = arith.index_cast %add3A_353 : i32 to index
      %swap3A_374 = tpu.vector_load %arg7[%swap3A_371, %swap3A_372, %swap3A_373] {strides = array<i32>} : memref<12x4x128xf32, #tpu.memory_space<vmem>>, vector<16xf32>,
      tpu.vector_store %arg7[%swap3A_371, %swap3A_372, %swap3A_373], %gather3A_368 {strides = array<i32>} : memref<12x4x128xf32, #tpu.memory_space<vmem>>, vector<16xf32>,
      %broadcast_in_dim3A_375 = arith.constant 2 : i32
      %broadcast_in_dim3A_376 = vector.broadcast %broadcast_in_dim3A_375 : i32 to vector<16xi32>
      %gather3A_377 = tpu.vector_load_idx %arg6[%add3A_359, %broadcast_in_dim3A_376] : memref<2048x8xf32, #tpu.memory_space<vmem>>[vector<16xi32>, vector<16xi32>], vector<16xf32>,
      %swap3A_378 = arith.constant 2 : i32
      %swap3A_379 = arith.constant 2 : i32
      %swap3A_380 = arith.index_cast %swap3A_378 : i32 to index
      %swap3A_381 = arith.index_cast %swap3A_379 : i32 to index
      %swap3A_382 = arith.index_cast %add3A_353 : i32 to index
      %swap3A_383 = tpu.vector_load %arg7[%swap3A_380, %swap3A_381, %swap3A_382] {strides = array<i32>} : memref<12x4x128xf32, #tpu.memory_space<vmem>>, vector<16xf32>,
      tpu.vector_store %arg7[%swap3A_380, %swap3A_381, %swap3A_382], %gather3A_377 {strides = array<i32>} : memref<12x4x128xf32, #tpu.memory_space<vmem>>, vector<16xf32>,
      %add3A_384 = arith.constant 512 : i32
      %add3A_385 = arith.addi %add3A_384, %add3A_355 : i32
      %add3A_386 = vector.broadcast %add3A_385 : i32 to vector<16xi32>
      %add3A_387 = arith.addi %iota3A, %add3A_386 : vector<16xi32>
      %broadcast_in_dim3A_388 = arith.constant 0 : i32
      %broadcast_in_dim3A_389 = vector.broadcast %broadcast_in_dim3A_388 : i32 to vector<16xi32>
      %gather3A_390 = tpu.vector_load_idx %arg6[%add3A_387, %broadcast_in_dim3A_389] : memref<2048x8xf32, #tpu.memory_space<vmem>>[vector<16xi32>, vector<16xi32>], vector<16xf32>,
      %swap3A_391 = arith.constant 3 : i32
      %swap3A_392 = arith.constant 2 : i32
      %swap3A_393 = arith.index_cast %swap3A_391 : i32 to index
      %swap3A_394 = arith.index_cast %swap3A_392 : i32 to index
      %swap3A_395 = arith.index_cast %add3A_353 : i32 to index
      %swap3A_396 = tpu.vector_load %arg7[%swap3A_393, %swap3A_394, %swap3A_395] {strides = array<i32>} : memref<12x4x128xf32, #tpu.memory_space<vmem>>, vector<16xf32>,
      tpu.vector_store %arg7[%swap3A_393, %swap3A_394, %swap3A_395], %gather3A_390 {strides = array<i32>} : memref<12x4x128xf32, #tpu.memory_space<vmem>>, vector<16xf32>,
      %broadcast_in_dim3A_397 = arith.constant 1 : i32
      %broadcast_in_dim3A_398 = vector.broadcast %broadcast_in_dim3A_397 : i32 to vector<16xi32>
      %gather3A_399 = tpu.vector_load_idx %arg6[%add3A_387, %broadcast_in_dim3A_398] : memref<2048x8xf32, #tpu.memory_space<vmem>>[vector<16xi32>, vector<16xi32>], vector<16xf32>,
      %swap3A_400 = arith.constant 4 : i32
      %swap3A_401 = arith.constant 2 : i32
      %swap3A_402 = arith.index_cast %swap3A_400 : i32 to index
      %swap3A_403 = arith.index_cast %swap3A_401 : i32 to index
      %swap3A_404 = arith.index_cast %add3A_353 : i32 to index
      %swap3A_405 = tpu.vector_load %arg7[%swap3A_402, %swap3A_403, %swap3A_404] {strides = array<i32>} : memref<12x4x128xf32, #tpu.memory_space<vmem>>, vector<16xf32>,
      tpu.vector_store %arg7[%swap3A_402, %swap3A_403, %swap3A_404], %gather3A_399 {strides = array<i32>} : memref<12x4x128xf32, #tpu.memory_space<vmem>>, vector<16xf32>,
      %broadcast_in_dim3A_406 = arith.constant 2 : i32
      %broadcast_in_dim3A_407 = vector.broadcast %broadcast_in_dim3A_406 : i32 to vector<16xi32>
      %gather3A_408 = tpu.vector_load_idx %arg6[%add3A_387, %broadcast_in_dim3A_407] : memref<2048x8xf32, #tpu.memory_space<vmem>>[vector<16xi32>, vector<16xi32>], vector<16xf32>,
      %swap3A_409 = arith.constant 5 : i32
      %swap3A_410 = arith.constant 2 : i32
      %swap3A_411 = arith.index_cast %swap3A_409 : i32 to index
      %swap3A_412 = arith.index_cast %swap3A_410 : i32 to index
      %swap3A_413 = arith.index_cast %add3A_353 : i32 to index
      %swap3A_414 = tpu.vector_load %arg7[%swap3A_411, %swap3A_412, %swap3A_413] {strides = array<i32>} : memref<12x4x128xf32, #tpu.memory_space<vmem>>, vector<16xf32>,
      tpu.vector_store %arg7[%swap3A_411, %swap3A_412, %swap3A_413], %gather3A_408 {strides = array<i32>} : memref<12x4x128xf32, #tpu.memory_space<vmem>>, vector<16xf32>,
      %add3A_415 = arith.constant 1024 : i32
      %add3A_416 = arith.addi %add3A_415, %add3A_355 : i32
      %add3A_417 = vector.broadcast %add3A_416 : i32 to vector<16xi32>
      %add3A_418 = arith.addi %iota3A, %add3A_417 : vector<16xi32>
      %broadcast_in_dim3A_419 = arith.constant 0 : i32
      %broadcast_in_dim3A_420 = vector.broadcast %broadcast_in_dim3A_419 : i32 to vector<16xi32>
      %gather3A_421 = tpu.vector_load_idx %arg6[%add3A_418, %broadcast_in_dim3A_420] : memref<2048x8xf32, #tpu.memory_space<vmem>>[vector<16xi32>, vector<16xi32>], vector<16xf32>,
      %swap3A_422 = arith.constant 6 : i32
      %swap3A_423 = arith.constant 2 : i32
      %swap3A_424 = arith.index_cast %swap3A_422 : i32 to index
      %swap3A_425 = arith.index_cast %swap3A_423 : i32 to index
      %swap3A_426 = arith.index_cast %add3A_353 : i32 to index
      %swap3A_427 = tpu.vector_load %arg7[%swap3A_424, %swap3A_425, %swap3A_426] {strides = array<i32>} : memref<12x4x128xf32, #tpu.memory_space<vmem>>, vector<16xf32>,
      tpu.vector_store %arg7[%swap3A_424, %swap3A_425, %swap3A_426], %gather3A_421 {strides = array<i32>} : memref<12x4x128xf32, #tpu.memory_space<vmem>>, vector<16xf32>,
      %broadcast_in_dim3A_428 = arith.constant 1 : i32
      %broadcast_in_dim3A_429 = vector.broadcast %broadcast_in_dim3A_428 : i32 to vector<16xi32>
      %gather3A_430 = tpu.vector_load_idx %arg6[%add3A_418, %broadcast_in_dim3A_429] : memref<2048x8xf32, #tpu.memory_space<vmem>>[vector<16xi32>, vector<16xi32>], vector<16xf32>,
      %swap3A_431 = arith.constant 7 : i32
      %swap3A_432 = arith.constant 2 : i32
      %swap3A_433 = arith.index_cast %swap3A_431 : i32 to index
      %swap3A_434 = arith.index_cast %swap3A_432 : i32 to index
      %swap3A_435 = arith.index_cast %add3A_353 : i32 to index
      %swap3A_436 = tpu.vector_load %arg7[%swap3A_433, %swap3A_434, %swap3A_435] {strides = array<i32>} : memref<12x4x128xf32, #tpu.memory_space<vmem>>, vector<16xf32>,
      tpu.vector_store %arg7[%swap3A_433, %swap3A_434, %swap3A_435], %gather3A_430 {strides = array<i32>} : memref<12x4x128xf32, #tpu.memory_space<vmem>>, vector<16xf32>,
      %broadcast_in_dim3A_437 = arith.constant 2 : i32
      %broadcast_in_dim3A_438 = vector.broadcast %broadcast_in_dim3A_437 : i32 to vector<16xi32>
      %gather3A_439 = tpu.vector_load_idx %arg6[%add3A_418, %broadcast_in_dim3A_438] : memref<2048x8xf32, #tpu.memory_space<vmem>>[vector<16xi32>, vector<16xi32>], vector<16xf32>,
      %swap3A_440 = arith.constant 8 : i32
      %swap3A_441 = arith.constant 2 : i32
      %swap3A_442 = arith.index_cast %swap3A_440 : i32 to index
      %swap3A_443 = arith.index_cast %swap3A_441 : i32 to index
      %swap3A_444 = arith.index_cast %add3A_353 : i32 to index
      %swap3A_445 = tpu.vector_load %arg7[%swap3A_442, %swap3A_443, %swap3A_444] {strides = array<i32>} : memref<12x4x128xf32, #tpu.memory_space<vmem>>, vector<16xf32>,
      tpu.vector_store %arg7[%swap3A_442, %swap3A_443, %swap3A_444], %gather3A_439 {strides = array<i32>} : memref<12x4x128xf32, #tpu.memory_space<vmem>>, vector<16xf32>,
      %add3A_446 = arith.constant 1536 : i32
      %add3A_447 = arith.addi %add3A_446, %add3A_355 : i32
      %add3A_448 = vector.broadcast %add3A_447 : i32 to vector<16xi32>
      %add3A_449 = arith.addi %iota3A, %add3A_448 : vector<16xi32>
      %broadcast_in_dim3A_450 = arith.constant 0 : i32
      %broadcast_in_dim3A_451 = vector.broadcast %broadcast_in_dim3A_450 : i32 to vector<16xi32>
      %gather3A_452 = tpu.vector_load_idx %arg6[%add3A_449, %broadcast_in_dim3A_451] : memref<2048x8xf32, #tpu.memory_space<vmem>>[vector<16xi32>, vector<16xi32>], vector<16xf32>,
      %swap3A_453 = arith.constant 9 : i32
      %swap3A_454 = arith.constant 2 : i32
      %swap3A_455 = arith.index_cast %swap3A_453 : i32 to index
      %swap3A_456 = arith.index_cast %swap3A_454 : i32 to index
      %swap3A_457 = arith.index_cast %add3A_353 : i32 to index
      %swap3A_458 = tpu.vector_load %arg7[%swap3A_455, %swap3A_456, %swap3A_457] {strides = array<i32>} : memref<12x4x128xf32, #tpu.memory_space<vmem>>, vector<16xf32>,
      tpu.vector_store %arg7[%swap3A_455, %swap3A_456, %swap3A_457], %gather3A_452 {strides = array<i32>} : memref<12x4x128xf32, #tpu.memory_space<vmem>>, vector<16xf32>,
      %broadcast_in_dim3A_459 = arith.constant 1 : i32
      %broadcast_in_dim3A_460 = vector.broadcast %broadcast_in_dim3A_459 : i32 to vector<16xi32>
      %gather3A_461 = tpu.vector_load_idx %arg6[%add3A_449, %broadcast_in_dim3A_460] : memref<2048x8xf32, #tpu.memory_space<vmem>>[vector<16xi32>, vector<16xi32>], vector<16xf32>,
      %swap3A_462 = arith.constant 10 : i32
      %swap3A_463 = arith.constant 2 : i32
      %swap3A_464 = arith.index_cast %swap3A_462 : i32 to index
      %swap3A_465 = arith.index_cast %swap3A_463 : i32 to index
      %swap3A_466 = arith.index_cast %add3A_353 : i32 to index
      %swap3A_467 = tpu.vector_load %arg7[%swap3A_464, %swap3A_465, %swap3A_466] {strides = array<i32>} : memref<12x4x128xf32, #tpu.memory_space<vmem>>, vector<16xf32>,
      tpu.vector_store %arg7[%swap3A_464, %swap3A_465, %swap3A_466], %gather3A_461 {strides = array<i32>} : memref<12x4x128xf32, #tpu.memory_space<vmem>>, vector<16xf32>,
      %broadcast_in_dim3A_468 = arith.constant 2 : i32
      %broadcast_in_dim3A_469 = vector.broadcast %broadcast_in_dim3A_468 : i32 to vector<16xi32>
      %gather3A_470 = tpu.vector_load_idx %arg6[%add3A_449, %broadcast_in_dim3A_469] : memref<2048x8xf32, #tpu.memory_space<vmem>>[vector<16xi32>, vector<16xi32>], vector<16xf32>,
      %swap3A_471 = arith.constant 11 : i32
      %swap3A_472 = arith.constant 2 : i32
      %swap3A_473 = arith.index_cast %swap3A_471 : i32 to index
      %swap3A_474 = arith.index_cast %swap3A_472 : i32 to index
      %swap3A_475 = arith.index_cast %add3A_353 : i32 to index
      %swap3A_476 = tpu.vector_load %arg7[%swap3A_473, %swap3A_474, %swap3A_475] {strides = array<i32>} : memref<12x4x128xf32, #tpu.memory_space<vmem>>, vector<16xf32>,
      tpu.vector_store %arg7[%swap3A_473, %swap3A_474, %swap3A_475], %gather3A_470 {strides = array<i32>} : memref<12x4x128xf32, #tpu.memory_space<vmem>>, vector<16xf32>,
    }
    %scan3A_341 = arith.constant 8 : i32
    %scan3A_342 = arith.constant 0 : i32
    %scan3A_343 = arith.constant 8 : i32
    %scan3A_344 = arith.addi %scan3A_342, %scan3A_343 : i32
    %scan3A_345 = arith.constant 1 : i32
    scf.for %scan3A_349 = %scan3A_342 to %scan3A_344 step %scan3A_345  : i32 {
      %mul3A_350 = arith.constant 16 : i32
      %mul3A_351 = arith.muli %scan3A_349, %mul3A_350 : i32
      %add3A_352 = arith.constant 0 : i32
      %add3A_353 = arith.addi %add3A_352, %mul3A_351 : i32
      %add3A_354 = arith.constant 384 : i32
      %add3A_355 = arith.addi %add3A_354, %add3A_353 : i32
      %add3A_356 = arith.constant 0 : i32
      %add3A_357 = arith.addi %add3A_356, %add3A_355 : i32
      %add3A_358 = vector.broadcast %add3A_357 : i32 to vector<16xi32>
      %add3A_359 = arith.addi %iota3A, %add3A_358 : vector<16xi32>
      %broadcast_in_dim3A = arith.constant 0 : i32
      %broadcast_in_dim3A_360 = vector.broadcast %broadcast_in_dim3A : i32 to vector<16xi32>
      %gather3A = tpu.vector_load_idx %arg6[%add3A_359, %broadcast_in_dim3A_360] : memref<2048x8xf32, #tpu.memory_space<vmem>>[vector<16xi32>, vector<16xi32>], vector<16xf32>,
      %swap3A = arith.constant 0 : i32
      %swap3A_361 = arith.constant 3 : i32
      %swap3A_362 = arith.index_cast %swap3A : i32 to index
      %swap3A_363 = arith.index_cast %swap3A_361 : i32 to index
      %swap3A_364 = arith.index_cast %add3A_353 : i32 to index
      %swap3A_365 = tpu.vector_load %arg7[%swap3A_362, %swap3A_363, %swap3A_364] {strides = array<i32>} : memref<12x4x128xf32, #tpu.memory_space<vmem>>, vector<16xf32>,
      tpu.vector_store %arg7[%swap3A_362, %swap3A_363, %swap3A_364], %gather3A {strides = array<i32>} : memref<12x4x128xf32, #tpu.memory_space<vmem>>, vector<16xf32>,
      %broadcast_in_dim3A_366 = arith.constant 1 : i32
      %broadcast_in_dim3A_367 = vector.broadcast %broadcast_in_dim3A_366 : i32 to vector<16xi32>
      %gather3A_368 = tpu.vector_load_idx %arg6[%add3A_359, %broadcast_in_dim3A_367] : memref<2048x8xf32, #tpu.memory_space<vmem>>[vector<16xi32>, vector<16xi32>], vector<16xf32>,
      %swap3A_369 = arith.constant 1 : i32
      %swap3A_370 = arith.constant 3 : i32
      %swap3A_371 = arith.index_cast %swap3A_369 : i32 to index
      %swap3A_372 = arith.index_cast %swap3A_370 : i32 to index
      %swap3A_373 = arith.index_cast %add3A_353 : i32 to index
      %swap3A_374 = tpu.vector_load %arg7[%swap3A_371, %swap3A_372, %swap3A_373] {strides = array<i32>} : memref<12x4x128xf32, #tpu.memory_space<vmem>>, vector<16xf32>,
      tpu.vector_store %arg7[%swap3A_371, %swap3A_372, %swap3A_373], %gather3A_368 {strides = array<i32>} : memref<12x4x128xf32, #tpu.memory_space<vmem>>, vector<16xf32>,
      %broadcast_in_dim3A_375 = arith.constant 2 : i32
      %broadcast_in_dim3A_376 = vector.broadcast %broadcast_in_dim3A_375 : i32 to vector<16xi32>
      %gather3A_377 = tpu.vector_load_idx %arg6[%add3A_359, %broadcast_in_dim3A_376] : memref<2048x8xf32, #tpu.memory_space<vmem>>[vector<16xi32>, vector<16xi32>], vector<16xf32>,
      %swap3A_378 = arith.constant 2 : i32
      %swap3A_379 = arith.constant 3 : i32
      %swap3A_380 = arith.index_cast %swap3A_378 : i32 to index
      %swap3A_381 = arith.index_cast %swap3A_379 : i32 to index
      %swap3A_382 = arith.index_cast %add3A_353 : i32 to index
      %swap3A_383 = tpu.vector_load %arg7[%swap3A_380, %swap3A_381, %swap3A_382] {strides = array<i32>} : memref<12x4x128xf32, #tpu.memory_space<vmem>>, vector<16xf32>,
      tpu.vector_store %arg7[%swap3A_380, %swap3A_381, %swap3A_382], %gather3A_377 {strides = array<i32>} : memref<12x4x128xf32, #tpu.memory_space<vmem>>, vector<16xf32>,
      %add3A_384 = arith.constant 512 : i32
      %add3A_385 = arith.addi %add3A_384, %add3A_355 : i32
      %add3A_386 = vector.broadcast %add3A_385 : i32 to vector<16xi32>
      %add3A_387 = arith.addi %iota3A, %add3A_386 : vector<16xi32>
      %broadcast_in_dim3A_388 = arith.constant 0 : i32
      %broadcast_in_dim3A_389 = vector.broadcast %broadcast_in_dim3A_388 : i32 to vector<16xi32>
      %gather3A_390 = tpu.vector_load_idx %arg6[%add3A_387, %broadcast_in_dim3A_389] : memref<2048x8xf32, #tpu.memory_space<vmem>>[vector<16xi32>, vector<16xi32>], vector<16xf32>,
      %swap3A_391 = arith.constant 3 : i32
      %swap3A_392 = arith.constant 3 : i32
      %swap3A_393 = arith.index_cast %swap3A_391 : i32 to index
      %swap3A_394 = arith.index_cast %swap3A_392 : i32 to index
      %swap3A_395 = arith.index_cast %add3A_353 : i32 to index
      %swap3A_396 = tpu.vector_load %arg7[%swap3A_393, %swap3A_394, %swap3A_395] {strides = array<i32>} : memref<12x4x128xf32, #tpu.memory_space<vmem>>, vector<16xf32>,
      tpu.vector_store %arg7[%swap3A_393, %swap3A_394, %swap3A_395], %gather3A_390 {strides = array<i32>} : memref<12x4x128xf32, #tpu.memory_space<vmem>>, vector<16xf32>,
      %broadcast_in_dim3A_397 = arith.constant 1 : i32
      %broadcast_in_dim3A_398 = vector.broadcast %broadcast_in_dim3A_397 : i32 to vector<16xi32>
      %gather3A_399 = tpu.vector_load_idx %arg6[%add3A_387, %broadcast_in_dim3A_398] : memref<2048x8xf32, #tpu.memory_space<vmem>>[vector<16xi32>, vector<16xi32>], vector<16xf32>,
      %swap3A_400 = arith.constant 4 : i32
      %swap3A_401 = arith.constant 3 : i32
      %swap3A_402 = arith.index_cast %swap3A_400 : i32 to index
      %swap3A_403 = arith.index_cast %swap3A_401 : i32 to index
      %swap3A_404 = arith.index_cast %add3A_353 : i32 to index
      %swap3A_405 = tpu.vector_load %arg7[%swap3A_402, %swap3A_403, %swap3A_404] {strides = array<i32>} : memref<12x4x128xf32, #tpu.memory_space<vmem>>, vector<16xf32>,
      tpu.vector_store %arg7[%swap3A_402, %swap3A_403, %swap3A_404], %gather3A_399 {strides = array<i32>} : memref<12x4x128xf32, #tpu.memory_space<vmem>>, vector<16xf32>,
      %broadcast_in_dim3A_406 = arith.constant 2 : i32
      %broadcast_in_dim3A_407 = vector.broadcast %broadcast_in_dim3A_406 : i32 to vector<16xi32>
      %gather3A_408 = tpu.vector_load_idx %arg6[%add3A_387, %broadcast_in_dim3A_407] : memref<2048x8xf32, #tpu.memory_space<vmem>>[vector<16xi32>, vector<16xi32>], vector<16xf32>,
      %swap3A_409 = arith.constant 5 : i32
      %swap3A_410 = arith.constant 3 : i32
      %swap3A_411 = arith.index_cast %swap3A_409 : i32 to index
      %swap3A_412 = arith.index_cast %swap3A_410 : i32 to index
      %swap3A_413 = arith.index_cast %add3A_353 : i32 to index
      %swap3A_414 = tpu.vector_load %arg7[%swap3A_411, %swap3A_412, %swap3A_413] {strides = array<i32>} : memref<12x4x128xf32, #tpu.memory_space<vmem>>, vector<16xf32>,
      tpu.vector_store %arg7[%swap3A_411, %swap3A_412, %swap3A_413], %gather3A_408 {strides = array<i32>} : memref<12x4x128xf32, #tpu.memory_space<vmem>>, vector<16xf32>,
      %add3A_415 = arith.constant 1024 : i32
      %add3A_416 = arith.addi %add3A_415, %add3A_355 : i32
      %add3A_417 = vector.broadcast %add3A_416 : i32 to vector<16xi32>
      %add3A_418 = arith.addi %iota3A, %add3A_417 : vector<16xi32>
      %broadcast_in_dim3A_419 = arith.constant 0 : i32
      %broadcast_in_dim3A_420 = vector.broadcast %broadcast_in_dim3A_419 : i32 to vector<16xi32>
      %gather3A_421 = tpu.vector_load_idx %arg6[%add3A_418, %broadcast_in_dim3A_420] : memref<2048x8xf32, #tpu.memory_space<vmem>>[vector<16xi32>, vector<16xi32>], vector<16xf32>,
      %swap3A_422 = arith.constant 6 : i32
      %swap3A_423 = arith.constant 3 : i32
      %swap3A_424 = arith.index_cast %swap3A_422 : i32 to index
      %swap3A_425 = arith.index_cast %swap3A_423 : i32 to index
      %swap3A_426 = arith.index_cast %add3A_353 : i32 to index
      %swap3A_427 = tpu.vector_load %arg7[%swap3A_424, %swap3A_425, %swap3A_426] {strides = array<i32>} : memref<12x4x128xf32, #tpu.memory_space<vmem>>, vector<16xf32>,
      tpu.vector_store %arg7[%swap3A_424, %swap3A_425, %swap3A_426], %gather3A_421 {strides = array<i32>} : memref<12x4x128xf32, #tpu.memory_space<vmem>>, vector<16xf32>,
      %broadcast_in_dim3A_428 = arith.constant 1 : i32
      %broadcast_in_dim3A_429 = vector.broadcast %broadcast_in_dim3A_428 : i32 to vector<16xi32>
      %gather3A_430 = tpu.vector_load_idx %arg6[%add3A_418, %broadcast_in_dim3A_429] : memref<2048x8xf32, #tpu.memory_space<vmem>>[vector<16xi32>, vector<16xi32>], vector<16xf32>,
      %swap3A_431 = arith.constant 7 : i32
      %swap3A_432 = arith.constant 3 : i32
      %swap3A_433 = arith.index_cast %swap3A_431 : i32 to index
      %swap3A_434 = arith.index_cast %swap3A_432 : i32 to index
      %swap3A_435 = arith.index_cast %add3A_353 : i32 to index
      %swap3A_436 = tpu.vector_load %arg7[%swap3A_433, %swap3A_434, %swap3A_435] {strides = array<i32>} : memref<12x4x128xf32, #tpu.memory_space<vmem>>, vector<16xf32>,
      tpu.vector_store %arg7[%swap3A_433, %swap3A_434, %swap3A_435], %gather3A_430 {strides = array<i32>} : memref<12x4x128xf32, #tpu.memory_space<vmem>>, vector<16xf32>,
      %broadcast_in_dim3A_437 = arith.constant 2 : i32
      %broadcast_in_dim3A_438 = vector.broadcast %broadcast_in_dim3A_437 : i32 to vector<16xi32>
      %gather3A_439 = tpu.vector_load_idx %arg6[%add3A_418, %broadcast_in_dim3A_438] : memref<2048x8xf32, #tpu.memory_space<vmem>>[vector<16xi32>, vector<16xi32>], vector<16xf32>,
      %swap3A_440 = arith.constant 8 : i32
      %swap3A_441 = arith.constant 3 : i32
      %swap3A_442 = arith.index_cast %swap3A_440 : i32 to index
      %swap3A_443 = arith.index_cast %swap3A_441 : i32 to index
      %swap3A_444 = arith.index_cast %add3A_353 : i32 to index
      %swap3A_445 = tpu.vector_load %arg7[%swap3A_442, %swap3A_443, %swap3A_444] {strides = array<i32>} : memref<12x4x128xf32, #tpu.memory_space<vmem>>, vector<16xf32>,
      tpu.vector_store %arg7[%swap3A_442, %swap3A_443, %swap3A_444], %gather3A_439 {strides = array<i32>} : memref<12x4x128xf32, #tpu.memory_space<vmem>>, vector<16xf32>,
      %add3A_446 = arith.constant 1536 : i32
      %add3A_447 = arith.addi %add3A_446, %add3A_355 : i32
      %add3A_448 = vector.broadcast %add3A_447 : i32 to vector<16xi32>
      %add3A_449 = arith.addi %iota3A, %add3A_448 : vector<16xi32>
      %broadcast_in_dim3A_450 = arith.constant 0 : i32
      %broadcast_in_dim3A_451 = vector.broadcast %broadcast_in_dim3A_450 : i32 to vector<16xi32>
      %gather3A_452 = tpu.vector_load_idx %arg6[%add3A_449, %broadcast_in_dim3A_451] : memref<2048x8xf32, #tpu.memory_space<vmem>>[vector<16xi32>, vector<16xi32>], vector<16xf32>,
      %swap3A_453 = arith.constant 9 : i32
      %swap3A_454 = arith.constant 3 : i32
      %swap3A_455 = arith.index_cast %swap3A_453 : i32 to index
      %swap3A_456 = arith.index_cast %swap3A_454 : i32 to index
      %swap3A_457 = arith.index_cast %add3A_353 : i32 to index
      %swap3A_458 = tpu.vector_load %arg7[%swap3A_455, %swap3A_456, %swap3A_457] {strides = array<i32>} : memref<12x4x128xf32, #tpu.memory_space<vmem>>, vector<16xf32>,
      tpu.vector_store %arg7[%swap3A_455, %swap3A_456, %swap3A_457], %gather3A_452 {strides = array<i32>} : memref<12x4x128xf32, #tpu.memory_space<vmem>>, vector<16xf32>,
      %broadcast_in_dim3A_459 = arith.constant 1 : i32
      %broadcast_in_dim3A_460 = vector.broadcast %broadcast_in_dim3A_459 : i32 to vector<16xi32>
      %gather3A_461 = tpu.vector_load_idx %arg6[%add3A_449, %broadcast_in_dim3A_460] : memref<2048x8xf32, #tpu.memory_space<vmem>>[vector<16xi32>, vector<16xi32>], vector<16xf32>,
      %swap3A_462 = arith.constant 10 : i32
      %swap3A_463 = arith.constant 3 : i32
      %swap3A_464 = arith.index_cast %swap3A_462 : i32 to index
      %swap3A_465 = arith.index_cast %swap3A_463 : i32 to index
      %swap3A_466 = arith.index_cast %add3A_353 : i32 to index
      %swap3A_467 = tpu.vector_load %arg7[%swap3A_464, %swap3A_465, %swap3A_466] {strides = array<i32>} : memref<12x4x128xf32, #tpu.memory_space<vmem>>, vector<16xf32>,
      tpu.vector_store %arg7[%swap3A_464, %swap3A_465, %swap3A_466], %gather3A_461 {strides = array<i32>} : memref<12x4x128xf32, #tpu.memory_space<vmem>>, vector<16xf32>,
      %broadcast_in_dim3A_468 = arith.constant 2 : i32
      %broadcast_in_dim3A_469 = vector.broadcast %broadcast_in_dim3A_468 : i32 to vector<16xi32>
      %gather3A_470 = tpu.vector_load_idx %arg6[%add3A_449, %broadcast_in_dim3A_469] : memref<2048x8xf32, #tpu.memory_space<vmem>>[vector<16xi32>, vector<16xi32>], vector<16xf32>,
      %swap3A_471 = arith.constant 11 : i32
      %swap3A_472 = arith.constant 3 : i32
      %swap3A_473 = arith.index_cast %swap3A_471 : i32 to index
      %swap3A_474 = arith.index_cast %swap3A_472 : i32 to index
      %swap3A_475 = arith.index_cast %add3A_353 : i32 to index
      %swap3A_476 = tpu.vector_load %arg7[%swap3A_473, %swap3A_474, %swap3A_475] {strides = array<i32>} : memref<12x4x128xf32, #tpu.memory_space<vmem>>, vector<16xf32>,
      tpu.vector_store %arg7[%swap3A_473, %swap3A_474, %swap3A_475], %gather3A_470 {strides = array<i32>} : memref<12x4x128xf32, #tpu.memory_space<vmem>>, vector<16xf32>,
    }
    %scan3A_346 = arith.constant 8 : i32
    %mul3A_347 = arith.constant 4 : i32
    %mul3A_348 = arith.muli %add3A, %mul3A_347 : i32
    "tpu.region"() ({
      %run_scoped3A_349 = tpu.sem_alloc : memref<!tpu.dma_semaphore, #tpu.memory_space<semaphore_mem>>
      %dma_start3A_350 = arith.constant 0 : i32
      %dma_start3A_351 = arith.constant 0 : i32
      %dma_start3A_352 = tpu.memref_slice %arg4[%dma_start3A_350, %mul3A_348, %dma_start3A_351] : memref<12x128x128xf32, #tpu.memory_space<hbm>> -> memref<12x4x128xf32, #tpu.memory_space<hbm>>
      %dma_start3A_353 = arith.constant 0 : i32
      %dma_start3A_354 = arith.constant 0 : i32
      %dma_start3A_355 = tpu.memref_slice %arg4[%dma_start3A_353, %mul3A_348, %dma_start3A_354] : memref<12x128x128xf32, #tpu.memory_space<hbm>> -> memref<12x4x128xf32, #tpu.memory_space<hbm>>
      tpu.enqueue_dma source(%arg7 : memref<12x4x128xf32, #tpu.memory_space<vmem>>) target(%dma_start3A_355 : memref<12x4x128xf32, #tpu.memory_space<hbm>>) target_semaphore(%run_scoped3A_349 : memref<!tpu.dma_semaphore, #tpu.memory_space<semaphore_mem>>)
      %dma_wait3A_356 = arith.constant 0 : i32
      %dma_wait3A_357 = arith.constant 0 : i32
      %dma_wait3A_358 = tpu.memref_slice %arg4[%dma_wait3A_356, %mul3A_348, %dma_wait3A_357] : memref<12x128x128xf32, #tpu.memory_space<hbm>> -> memref<12x4x128xf32, #tpu.memory_space<hbm>>
      %dma_wait3A_359 = arith.constant 0 : i32
      %dma_wait3A_360 = arith.constant 0 : i32
      %dma_wait3A_361 = tpu.memref_slice %arg4[%dma_wait3A_359, %mul3A_348, %dma_wait3A_360] : memref<12x128x128xf32, #tpu.memory_space<hbm>> -> memref<12x4x128xf32, #tpu.memory_space<hbm>>
      tpu.wait_dma2 semaphore(%run_scoped3A_349 : memref<!tpu.dma_semaphore, #tpu.memory_space<semaphore_mem>>) src(%arg7 : memref<12x4x128xf32, #tpu.memory_space<vmem>>) dst(%dma_wait3A_361 : memref<12x4x128xf32, #tpu.memory_space<hbm>>)
      tpu.yield
    }) : () -> ()
    return
  }
}

module attributes {stable_mosaic.version = 14 : i64} {
  func.func @_fused_body(%arg0: i32, %arg1: memref<512x4096xf32, #tpu.memory_space<vmem>>, %arg2: memref<8x4096xf32, #tpu.memory_space<vmem>>, %arg3: memref<512x8xf32, #tpu.memory_space<vmem>>, %arg4: memref<12x128x128xf32, #tpu.memory_space<vmem>>, %arg5: memref<16x128x128xf32, #tpu.memory_space<vmem>>, %arg6: memref<128x128xf32, #tpu.memory_space<vmem>>, %arg7: memref<128x128xf32, #tpu.memory_space<vmem>>, %arg8: memref<128x128xf32, #tpu.memory_space<vmem>>, %arg9: memref<1x1xf32, #tpu.memory_space<smem>>, %arg10: memref<1x1xf32, #tpu.memory_space<smem>>) attributes {dimension_semantics = [#tpu.dimension_semantics<arbitrary>], iteration_bounds = array<i64: 8>, scalar_prefetch = 0 : i64, scratch_operands = 0 : i64, tpu.core_type = #tpu.core_type<tc>, window_params = [{transform_indices = @transform_0, window_bounds = array<i64: 512, 4096>}, {pipeline_mode = #tpu.pipeline_mode<synchronous>, transform_indices = @transform_1, window_bounds = array<i64: 8, 4096>}, {transform_indices = @transform_2, window_bounds = array<i64: 512, 8>}, {pipeline_mode = #tpu.pipeline_mode<synchronous>, transform_indices = @transform_3, window_bounds = array<i64: 12, 128, 128>}, {pipeline_mode = #tpu.pipeline_mode<synchronous>, transform_indices = @transform_4, window_bounds = array<i64: 16, 128, 128>}, {pipeline_mode = #tpu.pipeline_mode<synchronous>, transform_indices = @transform_5, window_bounds = array<i64: 128, 128>}, {pipeline_mode = #tpu.pipeline_mode<synchronous>, transform_indices = @transform_6, window_bounds = array<i64: 128, 128>}, {pipeline_mode = #tpu.pipeline_mode<synchronous>, transform_indices = @transform_7, window_bounds = array<i64: 128, 128>}, {transform_indices = @transform_8, window_bounds = array<i64: 1, 1>}, {transform_indices = @transform_9, window_bounds = array<i64: 1, 1>}]} {
    %eq3A = arith.constant 0 : i32
    %eq3A_0 = arith.cmpi eq, %arg0, %eq3A : i32
    %convert_element_type3A = arith.extui %eq3A_0 : i1 to i32
    %cond3A = arith.constant 0 : i32
    %cond3A_1 = arith.cmpi ne, %convert_element_type3A, %cond3A : i32
    scf.if %cond3A_1 {
      %swap3A_70 = arith.constant 0.000000e+00 : f32
      %swap3A_71 = arith.constant 0 : index
      %swap3A_72 = arith.constant 0 : index
      %swap3A_73 = memref.load %arg10[%swap3A_71, %swap3A_72] : memref<1x1xf32, #tpu.memory_space<smem>>
      memref.store %swap3A_70, %arg10[%swap3A_71, %swap3A_72] : memref<1x1xf32, #tpu.memory_space<smem>>
    } else {
    }
    %get3A = arith.constant 0 : index
    %get3A_2 = arith.constant 0 : index
    %get3A_3 = vector.load %arg1[%get3A, %get3A_2] : memref<512x4096xf32, #tpu.memory_space<vmem>>, vector<512x4096xf32>
    %get3A_4 = arith.constant 0 : index
    %get3A_5 = arith.constant 0 : index
    %get3A_6 = vector.load %arg2[%get3A_4, %get3A_5] : memref<8x4096xf32, #tpu.memory_space<vmem>>, vector<1x4096xf32>
    %mul3A = vector.broadcast %get3A_6 : vector<1x4096xf32> to vector<512x4096xf32>
    %mul3A_7 = arith.mulf %get3A_3, %mul3A : vector<512x4096xf32>
    %reduce_sum3A = arith.constant dense<0.000000e+00> : vector<512xf32>
    %reduce_sum3A_8 = vector.multi_reduction <add>, %mul3A_7, %reduce_sum3A [1] : vector<512x4096xf32> to vector<512xf32>
    %broadcast_in_dim3A = vector.shape_cast %reduce_sum3A_8 : vector<512xf32> to vector<512x1xf32>
    %get3A_9 = arith.constant 0 : index
    %get3A_10 = arith.constant 0 : index
    %get3A_11 = vector.load %arg3[%get3A_9, %get3A_10] : memref<512x8xf32, #tpu.memory_space<vmem>>, vector<512x1xf32>
    %mul3A_12 = arith.mulf %broadcast_in_dim3A, %get3A_11 : vector<512x1xf32>
    %reduce_sum3A_13 = vector.shape_cast %mul3A_12 : vector<512x1xf32> to vector<1x512x1xf32>
    %reduce_sum3A_14 = arith.constant dense<0.000000e+00> : vector<1xf32>
    %reduce_sum3A_15 = vector.multi_reduction <add>, %reduce_sum3A_13, %reduce_sum3A_14 [1, 2] : vector<1x512x1xf32> to vector<1xf32>
    %reduce_sum3A_16 = vector.shape_cast %reduce_sum3A_15 : vector<1xf32> to vector<1x1x1xf32>
    %reduce_sum3A_17 = vector.extract %reduce_sum3A_16[0, 0, 0] : f32 from vector<1x1x1xf32>
    %add3A = arith.constant 0.000000e+00 : f32
    %add3A_18 = arith.addf %add3A, %reduce_sum3A_17 : f32
    %get3A_19 = arith.constant 1 : index
    %get3A_20 = arith.constant 0 : index
    %get3A_21 = vector.load %arg2[%get3A_19, %get3A_20] : memref<8x4096xf32, #tpu.memory_space<vmem>>, vector<1x4096xf32>
    %mul3A_22 = vector.broadcast %get3A_21 : vector<1x4096xf32> to vector<512x4096xf32>
    %mul3A_23 = arith.mulf %get3A_3, %mul3A_22 : vector<512x4096xf32>
    %reduce_sum3A_24 = arith.constant dense<0.000000e+00> : vector<512xf32>
    %reduce_sum3A_25 = vector.multi_reduction <add>, %mul3A_23, %reduce_sum3A_24 [1] : vector<512x4096xf32> to vector<512xf32>
    %broadcast_in_dim3A_26 = vector.shape_cast %reduce_sum3A_25 : vector<512xf32> to vector<512x1xf32>
    %get3A_27 = arith.constant 0 : index
    %get3A_28 = arith.constant 1 : index
    %get3A_29 = vector.load %arg3[%get3A_27, %get3A_28] : memref<512x8xf32, #tpu.memory_space<vmem>>, vector<512x1xf32>
    %mul3A_30 = arith.mulf %broadcast_in_dim3A_26, %get3A_29 : vector<512x1xf32>
    %reduce_sum3A_31 = vector.shape_cast %mul3A_30 : vector<512x1xf32> to vector<1x512x1xf32>
    %reduce_sum3A_32 = arith.constant dense<0.000000e+00> : vector<1xf32>
    %reduce_sum3A_33 = vector.multi_reduction <add>, %reduce_sum3A_31, %reduce_sum3A_32 [1, 2] : vector<1x512x1xf32> to vector<1xf32>
    %reduce_sum3A_34 = vector.shape_cast %reduce_sum3A_33 : vector<1xf32> to vector<1x1x1xf32>
    %reduce_sum3A_35 = vector.extract %reduce_sum3A_34[0, 0, 0] : f32 from vector<1x1x1xf32>
    %add3A_36 = arith.addf %add3A_18, %reduce_sum3A_35 : f32
    %get3A_37 = arith.constant 2 : index
    %get3A_38 = arith.constant 0 : index
    %get3A_39 = vector.load %arg2[%get3A_37, %get3A_38] : memref<8x4096xf32, #tpu.memory_space<vmem>>, vector<1x4096xf32>
    %mul3A_40 = vector.broadcast %get3A_39 : vector<1x4096xf32> to vector<512x4096xf32>
    %mul3A_41 = arith.mulf %get3A_3, %mul3A_40 : vector<512x4096xf32>
    %reduce_sum3A_42 = arith.constant dense<0.000000e+00> : vector<512xf32>
    %reduce_sum3A_43 = vector.multi_reduction <add>, %mul3A_41, %reduce_sum3A_42 [1] : vector<512x4096xf32> to vector<512xf32>
    %broadcast_in_dim3A_44 = vector.shape_cast %reduce_sum3A_43 : vector<512xf32> to vector<512x1xf32>
    %get3A_45 = arith.constant 0 : index
    %get3A_46 = arith.constant 2 : index
    %get3A_47 = vector.load %arg3[%get3A_45, %get3A_46] : memref<512x8xf32, #tpu.memory_space<vmem>>, vector<512x1xf32>
    %mul3A_48 = arith.mulf %broadcast_in_dim3A_44, %get3A_47 : vector<512x1xf32>
    %reduce_sum3A_49 = vector.shape_cast %mul3A_48 : vector<512x1xf32> to vector<1x512x1xf32>
    %reduce_sum3A_50 = arith.constant dense<0.000000e+00> : vector<1xf32>
    %reduce_sum3A_51 = vector.multi_reduction <add>, %reduce_sum3A_49, %reduce_sum3A_50 [1, 2] : vector<1x512x1xf32> to vector<1xf32>
    %reduce_sum3A_52 = vector.shape_cast %reduce_sum3A_51 : vector<1xf32> to vector<1x1x1xf32>
    %reduce_sum3A_53 = vector.extract %reduce_sum3A_52[0, 0, 0] : f32 from vector<1x1x1xf32>
    %add3A_54 = arith.addf %add3A_36, %reduce_sum3A_53 : f32
    %get3A_55 = arith.constant 0 : index
    %get3A_56 = arith.constant 0 : index
    %get3A_57 = memref.load %arg10[%get3A_55, %get3A_56] : memref<1x1xf32, #tpu.memory_space<smem>>
    %get3A_58 = arith.constant 0 : index
    %get3A_59 = arith.constant 0 : index
    %get3A_60 = memref.load %arg9[%get3A_58, %get3A_59] : memref<1x1xf32, #tpu.memory_space<smem>>
    %mul3A_61 = arith.mulf %add3A_54, %get3A_60 : f32
    %add3A_62 = arith.addf %get3A_57, %mul3A_61 : f32
    %swap3A = arith.constant 0 : index
    %swap3A_63 = arith.constant 0 : index
    %swap3A_64 = memref.load %arg10[%swap3A, %swap3A_63] : memref<1x1xf32, #tpu.memory_space<smem>>
    memref.store %add3A_62, %arg10[%swap3A, %swap3A_63] : memref<1x1xf32, #tpu.memory_space<smem>>
    %eq3A_65 = arith.constant 7 : i32
    %eq3A_66 = arith.cmpi eq, %arg0, %eq3A_65 : i32
    %convert_element_type3A_67 = arith.extui %eq3A_66 : i1 to i32
    %cond3A_68 = arith.constant 0 : i32
    %cond3A_69 = arith.cmpi ne, %convert_element_type3A_67, %cond3A_68 : i32
    scf.if %cond3A_69 {
      %get3A_70 = arith.constant 0 : index
      %get3A_71 = arith.constant 0 : index
      %get3A_72 = memref.load %arg10[%get3A_70, %get3A_71] : memref<1x1xf32, #tpu.memory_space<smem>>
      %get3A_73 = arith.constant 0 : index
      %get3A_74 = arith.constant 0 : index
      %get3A_75 = arith.constant 0 : index
      %get3A_76 = vector.load %arg4[%get3A_73, %get3A_74, %get3A_75] : memref<12x128x128xf32, #tpu.memory_space<vmem>>, vector<1x128x128xf32>
      %get3A_77 = vector.shape_cast %get3A_76 : vector<1x128x128xf32> to vector<128x128xf32>
      %get3A_78 = arith.constant 1 : index
      %get3A_79 = arith.constant 0 : index
      %get3A_80 = arith.constant 0 : index
      %get3A_81 = vector.load %arg4[%get3A_78, %get3A_79, %get3A_80] : memref<12x128x128xf32, #tpu.memory_space<vmem>>, vector<1x128x128xf32>
      %get3A_82 = vector.shape_cast %get3A_81 : vector<1x128x128xf32> to vector<128x128xf32>
      %get3A_83 = arith.constant 2 : index
      %get3A_84 = arith.constant 0 : index
      %get3A_85 = arith.constant 0 : index
      %get3A_86 = vector.load %arg4[%get3A_83, %get3A_84, %get3A_85] : memref<12x128x128xf32, #tpu.memory_space<vmem>>, vector<1x128x128xf32>
      %get3A_87 = vector.shape_cast %get3A_86 : vector<1x128x128xf32> to vector<128x128xf32>
      %get3A_88 = arith.constant 3 : index
      %get3A_89 = arith.constant 0 : index
      %get3A_90 = arith.constant 0 : index
      %get3A_91 = vector.load %arg4[%get3A_88, %get3A_89, %get3A_90] : memref<12x128x128xf32, #tpu.memory_space<vmem>>, vector<1x128x128xf32>
      %get3A_92 = vector.shape_cast %get3A_91 : vector<1x128x128xf32> to vector<128x128xf32>
      %get3A_93 = arith.constant 4 : index
      %get3A_94 = arith.constant 0 : index
      %get3A_95 = arith.constant 0 : index
      %get3A_96 = vector.load %arg4[%get3A_93, %get3A_94, %get3A_95] : memref<12x128x128xf32, #tpu.memory_space<vmem>>, vector<1x128x128xf32>
      %get3A_97 = vector.shape_cast %get3A_96 : vector<1x128x128xf32> to vector<128x128xf32>
      %get3A_98 = arith.constant 5 : index
      %get3A_99 = arith.constant 0 : index
      %get3A_100 = arith.constant 0 : index
      %get3A_101 = vector.load %arg4[%get3A_98, %get3A_99, %get3A_100] : memref<12x128x128xf32, #tpu.memory_space<vmem>>, vector<1x128x128xf32>
      %get3A_102 = vector.shape_cast %get3A_101 : vector<1x128x128xf32> to vector<128x128xf32>
      %get3A_103 = arith.constant 6 : index
      %get3A_104 = arith.constant 0 : index
      %get3A_105 = arith.constant 0 : index
      %get3A_106 = vector.load %arg4[%get3A_103, %get3A_104, %get3A_105] : memref<12x128x128xf32, #tpu.memory_space<vmem>>, vector<1x128x128xf32>
      %get3A_107 = vector.shape_cast %get3A_106 : vector<1x128x128xf32> to vector<128x128xf32>
      %get3A_108 = arith.constant 7 : index
      %get3A_109 = arith.constant 0 : index
      %get3A_110 = arith.constant 0 : index
      %get3A_111 = vector.load %arg4[%get3A_108, %get3A_109, %get3A_110] : memref<12x128x128xf32, #tpu.memory_space<vmem>>, vector<1x128x128xf32>
      %get3A_112 = vector.shape_cast %get3A_111 : vector<1x128x128xf32> to vector<128x128xf32>
      %get3A_113 = arith.constant 8 : index
      %get3A_114 = arith.constant 0 : index
      %get3A_115 = arith.constant 0 : index
      %get3A_116 = vector.load %arg4[%get3A_113, %get3A_114, %get3A_115] : memref<12x128x128xf32, #tpu.memory_space<vmem>>, vector<1x128x128xf32>
      %get3A_117 = vector.shape_cast %get3A_116 : vector<1x128x128xf32> to vector<128x128xf32>
      %get3A_118 = arith.constant 9 : index
      %get3A_119 = arith.constant 0 : index
      %get3A_120 = arith.constant 0 : index
      %get3A_121 = vector.load %arg4[%get3A_118, %get3A_119, %get3A_120] : memref<12x128x128xf32, #tpu.memory_space<vmem>>, vector<1x128x128xf32>
      %get3A_122 = vector.shape_cast %get3A_121 : vector<1x128x128xf32> to vector<128x128xf32>
      %get3A_123 = arith.constant 10 : index
      %get3A_124 = arith.constant 0 : index
      %get3A_125 = arith.constant 0 : index
      %get3A_126 = vector.load %arg4[%get3A_123, %get3A_124, %get3A_125] : memref<12x128x128xf32, #tpu.memory_space<vmem>>, vector<1x128x128xf32>
      %get3A_127 = vector.shape_cast %get3A_126 : vector<1x128x128xf32> to vector<128x128xf32>
      %get3A_128 = arith.constant 11 : index
      %get3A_129 = arith.constant 0 : index
      %get3A_130 = arith.constant 0 : index
      %get3A_131 = vector.load %arg4[%get3A_128, %get3A_129, %get3A_130] : memref<12x128x128xf32, #tpu.memory_space<vmem>>, vector<1x128x128xf32>
      %get3A_132 = vector.shape_cast %get3A_131 : vector<1x128x128xf32> to vector<128x128xf32>
      %get3A_133 = arith.constant 0 : index
      %get3A_134 = arith.constant 0 : index
      %get3A_135 = arith.constant 0 : index
      %get3A_136 = vector.load %arg5[%get3A_133, %get3A_134, %get3A_135] : memref<16x128x128xf32, #tpu.memory_space<vmem>>, vector<1x128x128xf32>
      %get3A_137 = vector.shape_cast %get3A_136 : vector<1x128x128xf32> to vector<128x128xf32>
      %get3A_138 = arith.constant 1 : index
      %get3A_139 = arith.constant 0 : index
      %get3A_140 = arith.constant 0 : index
      %get3A_141 = vector.load %arg5[%get3A_138, %get3A_139, %get3A_140] : memref<16x128x128xf32, #tpu.memory_space<vmem>>, vector<1x128x128xf32>
      %get3A_142 = vector.shape_cast %get3A_141 : vector<1x128x128xf32> to vector<128x128xf32>
      %get3A_143 = arith.constant 2 : index
      %get3A_144 = arith.constant 0 : index
      %get3A_145 = arith.constant 0 : index
      %get3A_146 = vector.load %arg5[%get3A_143, %get3A_144, %get3A_145] : memref<16x128x128xf32, #tpu.memory_space<vmem>>, vector<1x128x128xf32>
      %get3A_147 = vector.shape_cast %get3A_146 : vector<1x128x128xf32> to vector<128x128xf32>
      %get3A_148 = arith.constant 4 : index
      %get3A_149 = arith.constant 0 : index
      %get3A_150 = arith.constant 0 : index
      %get3A_151 = vector.load %arg5[%get3A_148, %get3A_149, %get3A_150] : memref<16x128x128xf32, #tpu.memory_space<vmem>>, vector<1x128x128xf32>
      %get3A_152 = vector.shape_cast %get3A_151 : vector<1x128x128xf32> to vector<128x128xf32>
      %get3A_153 = arith.constant 5 : index
      %get3A_154 = arith.constant 0 : index
      %get3A_155 = arith.constant 0 : index
      %get3A_156 = vector.load %arg5[%get3A_153, %get3A_154, %get3A_155] : memref<16x128x128xf32, #tpu.memory_space<vmem>>, vector<1x128x128xf32>
      %get3A_157 = vector.shape_cast %get3A_156 : vector<1x128x128xf32> to vector<128x128xf32>
      %get3A_158 = arith.constant 6 : index
      %get3A_159 = arith.constant 0 : index
      %get3A_160 = arith.constant 0 : index
      %get3A_161 = vector.load %arg5[%get3A_158, %get3A_159, %get3A_160] : memref<16x128x128xf32, #tpu.memory_space<vmem>>, vector<1x128x128xf32>
      %get3A_162 = vector.shape_cast %get3A_161 : vector<1x128x128xf32> to vector<128x128xf32>
      %get3A_163 = arith.constant 8 : index
      %get3A_164 = arith.constant 0 : index
      %get3A_165 = arith.constant 0 : index
      %get3A_166 = vector.load %arg5[%get3A_163, %get3A_164, %get3A_165] : memref<16x128x128xf32, #tpu.memory_space<vmem>>, vector<1x128x128xf32>
      %get3A_167 = vector.shape_cast %get3A_166 : vector<1x128x128xf32> to vector<128x128xf32>
      %get3A_168 = arith.constant 9 : index
      %get3A_169 = arith.constant 0 : index
      %get3A_170 = arith.constant 0 : index
      %get3A_171 = vector.load %arg5[%get3A_168, %get3A_169, %get3A_170] : memref<16x128x128xf32, #tpu.memory_space<vmem>>, vector<1x128x128xf32>
      %get3A_172 = vector.shape_cast %get3A_171 : vector<1x128x128xf32> to vector<128x128xf32>
      %get3A_173 = arith.constant 10 : index
      %get3A_174 = arith.constant 0 : index
      %get3A_175 = arith.constant 0 : index
      %get3A_176 = vector.load %arg5[%get3A_173, %get3A_174, %get3A_175] : memref<16x128x128xf32, #tpu.memory_space<vmem>>, vector<1x128x128xf32>
      %get3A_177 = vector.shape_cast %get3A_176 : vector<1x128x128xf32> to vector<128x128xf32>
      %get3A_178 = arith.constant 12 : index
      %get3A_179 = arith.constant 0 : index
      %get3A_180 = arith.constant 0 : index
      %get3A_181 = vector.load %arg5[%get3A_178, %get3A_179, %get3A_180] : memref<16x128x128xf32, #tpu.memory_space<vmem>>, vector<1x128x128xf32>
      %get3A_182 = vector.shape_cast %get3A_181 : vector<1x128x128xf32> to vector<128x128xf32>
      %get3A_183 = arith.constant 13 : index
      %get3A_184 = arith.constant 0 : index
      %get3A_185 = arith.constant 0 : index
      %get3A_186 = vector.load %arg5[%get3A_183, %get3A_184, %get3A_185] : memref<16x128x128xf32, #tpu.memory_space<vmem>>, vector<1x128x128xf32>
      %get3A_187 = vector.shape_cast %get3A_186 : vector<1x128x128xf32> to vector<128x128xf32>
      %get3A_188 = arith.constant 14 : index
      %get3A_189 = arith.constant 0 : index
      %get3A_190 = arith.constant 0 : index
      %get3A_191 = vector.load %arg5[%get3A_188, %get3A_189, %get3A_190] : memref<16x128x128xf32, #tpu.memory_space<vmem>>, vector<1x128x128xf32>
      %get3A_192 = vector.shape_cast %get3A_191 : vector<1x128x128xf32> to vector<128x128xf32>
      %mul3A_193 = arith.mulf %get3A_77, %get3A_137 : vector<128x128xf32>
      %mul3A_194 = arith.mulf %get3A_92, %get3A_152 : vector<128x128xf32>
      %add3A_195 = arith.addf %mul3A_193, %mul3A_194 : vector<128x128xf32>
      %mul3A_196 = arith.mulf %get3A_107, %get3A_167 : vector<128x128xf32>
      %add3A_197 = arith.addf %add3A_195, %mul3A_196 : vector<128x128xf32>
      %mul3A_198 = arith.mulf %get3A_122, %get3A_182 : vector<128x128xf32>
      %add3A_199 = arith.addf %add3A_197, %mul3A_198 : vector<128x128xf32>
      %mul3A_200 = arith.mulf %get3A_77, %get3A_142 : vector<128x128xf32>
      %mul3A_201 = arith.mulf %get3A_92, %get3A_157 : vector<128x128xf32>
      %add3A_202 = arith.addf %mul3A_200, %mul3A_201 : vector<128x128xf32>
      %mul3A_203 = arith.mulf %get3A_107, %get3A_172 : vector<128x128xf32>
      %add3A_204 = arith.addf %add3A_202, %mul3A_203 : vector<128x128xf32>
      %mul3A_205 = arith.mulf %get3A_122, %get3A_187 : vector<128x128xf32>
      %add3A_206 = arith.addf %add3A_204, %mul3A_205 : vector<128x128xf32>
      %mul3A_207 = arith.mulf %get3A_77, %get3A_147 : vector<128x128xf32>
      %mul3A_208 = arith.mulf %get3A_92, %get3A_162 : vector<128x128xf32>
      %add3A_209 = arith.addf %mul3A_207, %mul3A_208 : vector<128x128xf32>
      %mul3A_210 = arith.mulf %get3A_107, %get3A_177 : vector<128x128xf32>
      %add3A_211 = arith.addf %add3A_209, %mul3A_210 : vector<128x128xf32>
      %mul3A_212 = arith.mulf %get3A_122, %get3A_192 : vector<128x128xf32>
      %add3A_213 = arith.addf %add3A_211, %mul3A_212 : vector<128x128xf32>
      %mul3A_214 = arith.mulf %get3A_82, %get3A_137 : vector<128x128xf32>
      %mul3A_215 = arith.mulf %get3A_97, %get3A_152 : vector<128x128xf32>
      %add3A_216 = arith.addf %mul3A_214, %mul3A_215 : vector<128x128xf32>
      %mul3A_217 = arith.mulf %get3A_112, %get3A_167 : vector<128x128xf32>
      %add3A_218 = arith.addf %add3A_216, %mul3A_217 : vector<128x128xf32>
      %mul3A_219 = arith.mulf %get3A_127, %get3A_182 : vector<128x128xf32>
      %add3A_220 = arith.addf %add3A_218, %mul3A_219 : vector<128x128xf32>
      %mul3A_221 = arith.mulf %get3A_82, %get3A_142 : vector<128x128xf32>
      %mul3A_222 = arith.mulf %get3A_97, %get3A_157 : vector<128x128xf32>
      %add3A_223 = arith.addf %mul3A_221, %mul3A_222 : vector<128x128xf32>
      %mul3A_224 = arith.mulf %get3A_112, %get3A_172 : vector<128x128xf32>
      %add3A_225 = arith.addf %add3A_223, %mul3A_224 : vector<128x128xf32>
      %mul3A_226 = arith.mulf %get3A_127, %get3A_187 : vector<128x128xf32>
      %add3A_227 = arith.addf %add3A_225, %mul3A_226 : vector<128x128xf32>
      %mul3A_228 = arith.mulf %get3A_82, %get3A_147 : vector<128x128xf32>
      %mul3A_229 = arith.mulf %get3A_97, %get3A_162 : vector<128x128xf32>
      %add3A_230 = arith.addf %mul3A_228, %mul3A_229 : vector<128x128xf32>
      %mul3A_231 = arith.mulf %get3A_112, %get3A_177 : vector<128x128xf32>
      %add3A_232 = arith.addf %add3A_230, %mul3A_231 : vector<128x128xf32>
      %mul3A_233 = arith.mulf %get3A_127, %get3A_192 : vector<128x128xf32>
      %add3A_234 = arith.addf %add3A_232, %mul3A_233 : vector<128x128xf32>
      %mul3A_235 = arith.mulf %get3A_87, %get3A_137 : vector<128x128xf32>
      %mul3A_236 = arith.mulf %get3A_102, %get3A_152 : vector<128x128xf32>
      %add3A_237 = arith.addf %mul3A_235, %mul3A_236 : vector<128x128xf32>
      %mul3A_238 = arith.mulf %get3A_117, %get3A_167 : vector<128x128xf32>
      %add3A_239 = arith.addf %add3A_237, %mul3A_238 : vector<128x128xf32>
      %mul3A_240 = arith.mulf %get3A_132, %get3A_182 : vector<128x128xf32>
      %add3A_241 = arith.addf %add3A_239, %mul3A_240 : vector<128x128xf32>
      %mul3A_242 = arith.mulf %get3A_87, %get3A_142 : vector<128x128xf32>
      %mul3A_243 = arith.mulf %get3A_102, %get3A_157 : vector<128x128xf32>
      %add3A_244 = arith.addf %mul3A_242, %mul3A_243 : vector<128x128xf32>
      %mul3A_245 = arith.mulf %get3A_117, %get3A_172 : vector<128x128xf32>
      %add3A_246 = arith.addf %add3A_244, %mul3A_245 : vector<128x128xf32>
      %mul3A_247 = arith.mulf %get3A_132, %get3A_187 : vector<128x128xf32>
      %add3A_248 = arith.addf %add3A_246, %mul3A_247 : vector<128x128xf32>
      %mul3A_249 = arith.mulf %get3A_87, %get3A_147 : vector<128x128xf32>
      %mul3A_250 = arith.mulf %get3A_102, %get3A_162 : vector<128x128xf32>
      %add3A_251 = arith.addf %mul3A_249, %mul3A_250 : vector<128x128xf32>
      %mul3A_252 = arith.mulf %get3A_117, %get3A_177 : vector<128x128xf32>
      %add3A_253 = arith.addf %add3A_251, %mul3A_252 : vector<128x128xf32>
      %mul3A_254 = arith.mulf %get3A_132, %get3A_192 : vector<128x128xf32>
      %add3A_255 = arith.addf %add3A_253, %mul3A_254 : vector<128x128xf32>
      %mul3A_256 = arith.mulf %add3A_199, %add3A_199 : vector<128x128xf32>
      %mul3A_257 = arith.mulf %add3A_206, %add3A_206 : vector<128x128xf32>
      %add3A_258 = arith.addf %mul3A_256, %mul3A_257 : vector<128x128xf32>
      %mul3A_259 = arith.mulf %add3A_213, %add3A_213 : vector<128x128xf32>
      %add3A_260 = arith.addf %add3A_258, %mul3A_259 : vector<128x128xf32>
      %mul3A_261 = arith.mulf %add3A_220, %add3A_220 : vector<128x128xf32>
      %add3A_262 = arith.addf %add3A_260, %mul3A_261 : vector<128x128xf32>
      %mul3A_263 = arith.mulf %add3A_227, %add3A_227 : vector<128x128xf32>
      %add3A_264 = arith.addf %add3A_262, %mul3A_263 : vector<128x128xf32>
      %mul3A_265 = arith.mulf %add3A_234, %add3A_234 : vector<128x128xf32>
      %add3A_266 = arith.addf %add3A_264, %mul3A_265 : vector<128x128xf32>
      %mul3A_267 = arith.mulf %add3A_241, %add3A_241 : vector<128x128xf32>
      %add3A_268 = arith.addf %add3A_266, %mul3A_267 : vector<128x128xf32>
      %mul3A_269 = arith.mulf %add3A_248, %add3A_248 : vector<128x128xf32>
      %add3A_270 = arith.addf %add3A_268, %mul3A_269 : vector<128x128xf32>
      %mul3A_271 = arith.mulf %add3A_255, %add3A_255 : vector<128x128xf32>
      %add3A_272 = arith.addf %add3A_270, %mul3A_271 : vector<128x128xf32>
      %mul3A_273 = arith.mulf %add3A_227, %add3A_255 : vector<128x128xf32>
      %mul3A_274 = arith.mulf %add3A_234, %add3A_248 : vector<128x128xf32>
      %sub3A = arith.subf %mul3A_273, %mul3A_274 : vector<128x128xf32>
      %mul3A_275 = arith.mulf %add3A_199, %sub3A : vector<128x128xf32>
      %mul3A_276 = arith.mulf %add3A_220, %add3A_255 : vector<128x128xf32>
      %mul3A_277 = arith.mulf %add3A_234, %add3A_241 : vector<128x128xf32>
      %sub3A_278 = arith.subf %mul3A_276, %mul3A_277 : vector<128x128xf32>
      %mul3A_279 = arith.mulf %add3A_206, %sub3A_278 : vector<128x128xf32>
      %sub3A_280 = arith.subf %mul3A_275, %mul3A_279 : vector<128x128xf32>
      %mul3A_281 = arith.mulf %add3A_220, %add3A_248 : vector<128x128xf32>
      %mul3A_282 = arith.mulf %add3A_227, %add3A_241 : vector<128x128xf32>
      %sub3A_283 = arith.subf %mul3A_281, %mul3A_282 : vector<128x128xf32>
      %mul3A_284 = arith.mulf %add3A_213, %sub3A_283 : vector<128x128xf32>
      %add3A_285 = arith.addf %sub3A_280, %mul3A_284 : vector<128x128xf32>
      %get3A_286 = arith.constant 0 : index
      %get3A_287 = arith.constant 0 : index
      %get3A_288 = vector.load %arg6[%get3A_286, %get3A_287] : memref<128x128xf32, #tpu.memory_space<vmem>>, vector<128x128xf32>
      %get3A_289 = arith.constant 0 : index
      %get3A_290 = arith.constant 0 : index
      %get3A_291 = vector.load %arg7[%get3A_289, %get3A_290] : memref<128x128xf32, #tpu.memory_space<vmem>>, vector<128x128xf32>
      %get3A_292 = arith.constant 0 : index
      %get3A_293 = arith.constant 0 : index
      %get3A_294 = vector.load %arg8[%get3A_292, %get3A_293] : memref<128x128xf32, #tpu.memory_space<vmem>>, vector<128x128xf32>
      %mul3A_295 = arith.constant 7.500000e-01 : f32
      %mul3A_296 = vector.broadcast %mul3A_295 : f32 to vector<128x128xf32>
      %mul3A_297 = arith.mulf %mul3A_296, %get3A_294 : vector<128x128xf32>
      %div3A = arith.divf %mul3A_297, %get3A_291 : vector<128x128xf32>
      %add3A_298 = arith.constant 1.000000e+00 : f32
      %add3A_299 = vector.broadcast %add3A_298 : f32 to vector<128x128xf32>
      %add3A_300 = arith.addf %div3A, %add3A_299 : vector<128x128xf32>
      %add3A_301 = arith.constant 1.000000e+00 : f32
      %add3A_302 = vector.broadcast %add3A_301 : f32 to vector<128x128xf32>
      %add3A_303 = arith.addf %add3A_272, %add3A_302 : vector<128x128xf32>
      %max3A = arith.constant 0.000000e+00 : f32
      %max3A_304 = vector.broadcast %max3A : f32 to vector<128x128xf32>
      %max3A_305 = arith.maximumf %add3A_303, %max3A_304 : vector<128x128xf32>
      %add3A_306 = arith.constant 1.000000e-30 : f32
      %add3A_307 = vector.broadcast %add3A_306 : f32 to vector<128x128xf32>
      %add3A_308 = arith.addf %max3A_305, %add3A_307 : vector<128x128xf32>
      %mul3A_309 = arith.constant 5.000000e-01 : f32
      %mul3A_310 = vector.broadcast %mul3A_309 : f32 to vector<128x128xf32>
      %mul3A_311 = arith.mulf %mul3A_310, %get3A_294 : vector<128x128xf32>
      %sub3A_312 = arith.constant 3.000000e+00 : f32
      %sub3A_313 = vector.broadcast %sub3A_312 : f32 to vector<128x128xf32>
      %sub3A_314 = arith.subf %add3A_272, %sub3A_313 : vector<128x128xf32>
      %mul3A_315 = arith.mulf %mul3A_311, %sub3A_314 : vector<128x128xf32>
      %mul3A_316 = arith.constant 5.000000e-01 : f32
      %mul3A_317 = vector.broadcast %mul3A_316 : f32 to vector<128x128xf32>
      %mul3A_318 = arith.mulf %mul3A_317, %get3A_291 : vector<128x128xf32>
      %sub3A_319 = arith.subf %add3A_285, %add3A_300 : vector<128x128xf32>
      %integer_pow3A = arith.mulf %sub3A_319, %sub3A_319 : vector<128x128xf32>
      %mul3A_320 = arith.mulf %mul3A_318, %integer_pow3A : vector<128x128xf32>
      %add3A_321 = arith.addf %mul3A_315, %mul3A_320 : vector<128x128xf32>
      %mul3A_322 = arith.constant 5.000000e-01 : f32
      %mul3A_323 = vector.broadcast %mul3A_322 : f32 to vector<128x128xf32>
      %mul3A_324 = arith.mulf %mul3A_323, %get3A_294 : vector<128x128xf32>
      %log3A = math.log %add3A_308 : vector<128x128xf32>
      %mul3A_325 = arith.mulf %mul3A_324, %log3A : vector<128x128xf32>
      %sub3A_326 = arith.subf %add3A_321, %mul3A_325 : vector<128x128xf32>
      %mul3A_327 = arith.mulf %sub3A_326, %get3A_288 : vector<128x128xf32>
      %reduce_sum3A_328 = vector.shape_cast %mul3A_327 : vector<128x128xf32> to vector<1x128x128xf32>
      %reduce_sum3A_329 = arith.constant dense<0.000000e+00> : vector<1xf32>
      %reduce_sum3A_330 = vector.multi_reduction <add>, %reduce_sum3A_328, %reduce_sum3A_329 [1, 2] : vector<1x128x128xf32> to vector<1xf32>
      %reduce_sum3A_331 = vector.shape_cast %reduce_sum3A_330 : vector<1xf32> to vector<1x1x1xf32>
      %reduce_sum3A_332 = vector.extract %reduce_sum3A_331[0, 0, 0] : f32 from vector<1x1x1xf32>
      %add3A_333 = arith.addf %get3A_72, %reduce_sum3A_332 : f32
      %swap3A_334 = arith.constant 0 : index
      %swap3A_335 = arith.constant 0 : index
      %swap3A_336 = memref.load %arg10[%swap3A_334, %swap3A_335] : memref<1x1xf32, #tpu.memory_space<smem>>
      memref.store %add3A_333, %arg10[%swap3A_334, %swap3A_335] : memref<1x1xf32, #tpu.memory_space<smem>>
    } else {
    }
    return
  }
  func.func @transform_0(%arg0: i32) -> (i32, i32) {
    %c0_i32 = arith.constant 0 : i32
    %c0_i32_0 = arith.constant 0 : i32
    return %arg0, %c0_i32 : i32, i32
  }
  func.func @transform_1(%arg0: i32) -> (i32, i32) {
    %c0_i32 = arith.constant 0 : i32
    %c0_i32_0 = arith.constant 0 : i32
    %c0_i32_1 = arith.constant 0 : i32
    return %c0_i32, %c0_i32_0 : i32, i32
  }
  func.func @transform_2(%arg0: i32) -> (i32, i32) {
    %c0_i32 = arith.constant 0 : i32
    %c0_i32_0 = arith.constant 0 : i32
    return %arg0, %c0_i32 : i32, i32
  }
  func.func @transform_3(%arg0: i32) -> (i32, i32, i32) {
    %c0_i32 = arith.constant 0 : i32
    %c0_i32_0 = arith.constant 0 : i32
    %c0_i32_1 = arith.constant 0 : i32
    %c0_i32_2 = arith.constant 0 : i32
    return %c0_i32, %c0_i32_0, %c0_i32_1 : i32, i32, i32
  }
  func.func @transform_4(%arg0: i32) -> (i32, i32, i32) {
    %c0_i32 = arith.constant 0 : i32
    %c0_i32_0 = arith.constant 0 : i32
    %c0_i32_1 = arith.constant 0 : i32
    %c0_i32_2 = arith.constant 0 : i32
    return %c0_i32, %c0_i32_0, %c0_i32_1 : i32, i32, i32
  }
  func.func @transform_5(%arg0: i32) -> (i32, i32) {
    %c0_i32 = arith.constant 0 : i32
    %c0_i32_0 = arith.constant 0 : i32
    %c0_i32_1 = arith.constant 0 : i32
    return %c0_i32, %c0_i32_0 : i32, i32
  }
  func.func @transform_6(%arg0: i32) -> (i32, i32) {
    %c0_i32 = arith.constant 0 : i32
    %c0_i32_0 = arith.constant 0 : i32
    %c0_i32_1 = arith.constant 0 : i32
    return %c0_i32, %c0_i32_0 : i32, i32
  }
  func.func @transform_7(%arg0: i32) -> (i32, i32) {
    %c0_i32 = arith.constant 0 : i32
    %c0_i32_0 = arith.constant 0 : i32
    %c0_i32_1 = arith.constant 0 : i32
    return %c0_i32, %c0_i32_0 : i32, i32
  }
  func.func @transform_8(%arg0: i32) -> (i32, i32) {
    %c0_i32 = arith.constant 0 : i32
    %c0_i32_0 = arith.constant 0 : i32
    %c0_i32_1 = arith.constant 0 : i32
    return %c0_i32, %c0_i32_0 : i32, i32
  }
  func.func @transform_9(%arg0: i32) -> (i32, i32) {
    %c0_i32 = arith.constant 0 : i32
    %c0_i32_0 = arith.constant 0 : i32
    %c0_i32_1 = arith.constant 0 : i32
    return %c0_i32, %c0_i32_0 : i32, i32
  }
}

</mosaic_0001>

<sc_bundles>
// kernel: kernel.4.cloned.1.call-start
scs
__scs_entry_jumppad:
0x0: {  	(pc) =	sbr.rel $0x88, $3  }
0x1: {  	(tag) =	ssettag $0x0;
	lr =	simm.s32 $0x1  }
0x2: {  	[smem:$0x3F96] =	sst lr;
	_ =	strace $0xD0000000  }
0x3: {  	_ = 	snop  }
0x4: {  	_ = 	snop  }
0x5: {  	_ = 	snop  }
0x6: {  	_ = 	snop  }
0x7: {  	_ = 	snop  }
__scs_overlays_trampoline_lowered:
0x8: {  	[smem:$0x3FA5] =	sst s0  }
0x9: {  	[smem:$0x3FA6] =	sst s1  }
0xa: {  	[smem:$0x3FA7] =	sst s2  }
0xb: {  	[smem:$0x3FA8] =	sst s3  }
0xc: {  	[smem:$0x3FA9] =	sst s4  }
0xd: {  	[smem:$0x3FAA] =	sst s5  }
0xe: {  	[smem:$0x3FAB] =	sst s6  }
0xf: {  	[smem:$0x3FAC] =	sst s7  }
0x10: {  	[smem:$0x3FAD] =	sst s8  }
0x11: {  	[smem:$0x3FAE] =	sst s9;
	s0 =	simm.s32 @!p0 $0x0  }
0x12: {  	s1 =	sld [smem:$0x3F94];
	s0 =	simm.s32 @p0 $0x1  }
0x13: {  	[smem:$0x3FAF] =	sst s0;
	s0 =	simm.s32 @!p1 $0x0  }
0x14: {  	s2 =	sld [smem:$0x3F93];
	s0 =	simm.s32 @p1 $0x1  }
0x15: {  	[smem:$0x3FB0] =	sst s0;
	s0 =	simm.s32 @!p2 $0x0  }
0x16: {  	s3 =	sld [smem:$0x3FDB];
	s0 =	simm.s32 @p2 $0x1  }
0x17: {  	s4 =	simm.s32 $0x1BF5;
	[smem:$0x3FB2] =	sst s0  }
0x18: {  	s0 =	sld [smem:$0x3F95];
	_ =	swait.ge [sflag:s4], $0x0  }
0x19: {  	s7 =	sld [smem:$0x3F96]  }
0x1a: {  	s8 =	sadd.s32 $0xFFFFE003, lr  }
0x1b: {  	s9 =	sadd.s32 $0xFFFFFEF7, lr;
	s5 =	simm.s32 $0xFFFFFFFF;
	p2 =	slt.u32 s8, $0xFFFFF086  }
0x1c: {  	p1 =	slt.u32 s9, $0xF7A;
	s5 =	simm.s32 @!p2 $0x0  }
0x1d: {  	s5 =	simm.s32 @p1 $0x1;
	p0 =	seq.s32 s7, s2  }
0x1e: {  	s7 =	smul.u32 @!p0 $0xF7A, s2;
	p2 =	seq.s32 @!p0 s5, $0x0  }
0x1f: {  	s9 =	smul.u32 $0xF7A, s1;
	s8 =	simm.s32 @!p0 $0x1BF5;
	p2 =	por !p2, p0  }
0x20: {  	[sflag:s8] =	ssyncset.s32 @!p0 $0xFFFFF086;
	s6 =	sadd.s32 @!p0 s3, s7;
	s7 =	simm.s32 @!p0 $0x108  }
0x21: {  	s3 =	sadd.s32 s3, s9;
	s6 =	sadd.s32 @!p0 $0x88, s6;
	s7 =	simm.s32 @p2 $0x1082  }
0x22: {  	[simem:s7], [sflag:s8] =	dma.local @!p0 [hbm:s6], $0xF7A  }
0x23: {  	s9 =	sor.u32 $0xD0000000, s2;
	s6 =	simm.s32 $0x108;
	_ =	swait.ge @!p0 [sflag:s8], $0x0  }
0x24: {  	s3 =	sadd.s32 $0x88, s3;
	s6 =	simm.s32 @!p1 $0x1082;
	[sflag:s4] =	ssyncset.s32 $0xFFFFF086  }
0x25: {  	[simem:s6], [sflag:s4] =	dma.local [hbm:s3], $0xF7A  }
0x26: {  	[smem:$0x3F96] =	sst s1;
	(tag) =	ssettag s2;
	_ =	strace s9  }
0x27: {  	s1 =	sld [smem:$0x3FA6]  }
0x28: {  	s2 =	sld [smem:$0x3FA7]  }
0x29: {  	s4 =	sld [smem:$0x3FA9]  }
0x2a: {  	p0 =	seq.s32 s5, $0x0;
	s5 =	sld [smem:$0x3FAA]  }
0x2b: {  	s6 =	sld [smem:$0x3FAB]  }
0x2c: {  	s7 =	sld [smem:$0x3FAC]  }
0x2d: {  	s3 =	simm.s32 $0x108;
	s8 =	sld [smem:$0x3FAD]  }
0x2e: {  	s3 =	simm.s32 @!p0 $0x1082;
	s9 =	sld [smem:$0x3FAE]  }
0x2f: {  	lr =	sadd.s32 s0, s3;
	s0 =	sld [smem:$0x3FA5]  }
0x30: {  	s3 =	sld [smem:$0x3FA8]  }
0x31: {  	[smem:$0x3FB1] =	sst s10  }
0x32: {  	s10 =	sld [smem:$0x3FAF];
	_ =	sdelay $0x3  }
0x33: {  	p0 =	seq.s32 s10, $0x1;
	s10 =	sld [smem:$0x3FB1];
	_ =	sdelay $0x3  }
0x34: {  	[smem:$0x3FB1] =	sst s10  }
0x35: {  	s10 =	sld [smem:$0x3FB0];
	_ =	sdelay $0x3  }
0x36: {  	p1 =	seq.s32 s10, $0x1;
	s10 =	sld [smem:$0x3FB1];
	_ =	sdelay $0x3  }
0x37: {  	[smem:$0x3FB1] =	sst s10  }
0x38: {  	s10 =	sld [smem:$0x3FB2]  }
0x39: {  	_ = 	snop;
	(pc) =	sbr.ind lr, $3  }
0x3a: {  	_ = 	snop  }
0x3b: {  	_ = 	snop  }
0x3c: {  	p2 =	seq.s32 s10, $0x1;
	s10 =	sld [smem:$0x3FB1]  }
0x3d: {  	_ =	shalt  }
0x3e: {  	_ =	shalt  }
0x3f: {  	_ =	shalt  }
0x40: {  	_ =	shalt  }
0x41: {  	_ =	shalt  }
0x42: {  	_ =	shalt  }
0x43: {  	_ =	shalt  }
0x44: {  	_ =	shalt  }
0x45: {  	_ =	shalt  }
0x46: {  	_ =	shalt  }
0x47: {  	_ =	shalt  }
0x48: {  	_ =	shalt  }
0x49: {  	_ =	shalt  }
0x4a: {  	_ =	shalt  }
0x4b: {  	_ =	shalt  }
0x4c: {  	_ =	shalt  }
0x4d: {  	_ =	shalt  }
0x4e: {  	_ =	shalt  }
0x4f: {  	_ =	shalt  }
0x50: {  	_ =	shalt  }
0x51: {  	_ =	shalt  }
0x52: {  	_ =	shalt  }
0x53: {  	_ =	shalt  }
0x54: {  	_ =	shalt  }
0x55: {  	_ =	shalt  }
0x56: {  	_ =	shalt  }
0x57: {  	_ =	shalt  }
0x58: {  	_ =	shalt  }
0x59: {  	_ =	shalt  }
0x5a: {  	_ =	shalt  }
0x5b: {  	_ =	shalt  }
0x5c: {  	_ =	shalt  }
0x5d: {  	_ =	shalt  }
0x5e: {  	_ =	shalt  }
0x5f: {  	_ =	shalt  }
0x60: {  	_ =	shalt  }
0x61: {  	_ =	shalt  }
0x62: {  	_ =	shalt  }
0x63: {  	_ =	shalt  }
0x64: {  	_ =	shalt  }
0x65: {  	_ =	shalt  }
0x66: {  	_ =	shalt  }
0x67: {  	_ =	shalt  }
0x68: {  	_ =	shalt  }
0x69: {  	_ =	shalt  }
0x6a: {  	_ =	shalt  }
0x6b: {  	_ =	shalt  }
0x6c: {  	_ =	shalt  }
0x6d: {  	_ =	shalt  }
0x6e: {  	_ =	shalt  }
0x6f: {  	_ =	shalt  }
0x70: {  	_ =	shalt  }
0x71: {  	_ =	shalt  }
0x72: {  	_ =	shalt  }
0x73: {  	_ =	shalt  }
0x74: {  	_ =	shalt  }
0x75: {  	_ =	shalt  }
0x76: {  	_ =	shalt  }
0x77: {  	_ =	shalt  }
0x78: {  	_ =	shalt  }
0x79: {  	_ =	shalt  }
0x7a: {  	_ =	shalt  }
0x7b: {  	_ =	shalt  }
0x7c: {  	_ =	shalt  }
0x7d: {  	_ =	shalt  }
0x7e: {  	_ =	shalt  }
0x7f: {  	_ =	shalt  }
0x80: {  	_ =	shalt  }
0x81: {  	_ =	shalt  }
0x82: {  	_ =	shalt  }
0x83: {  	_ =	shalt  }
0x84: {  	_ =	shalt  }
0x85: {  	_ =	shalt  }
0x86: {  	_ =	shalt  }
0x87: {  	_ =	shalt  }
.Lfunc_end0:
.L_simem_size_0:
called_computation_lowered:
.L_overlay_start_0:
0x88: {  	s2 =	sld [smem:$0x3FD9]  }
0x89: {  	s3 =	sld [smem:$0x3FFE];
	_ =	sdelay $0x1  }
0x8a: {  	s1 =	srdreg.scid  }
0x8b: {  	s0 =	sand.u32 $0x1, s1  }
0x8c: {  	s16 =	sshll.u32 s0, $0xA;
	s2 =	sadd.s32 s3, s2  }
0x8d: {  	s2 =	sadd.s32 s2, s16  }
0x8e: {  	[smem:$0x3FBD] =	sst s2  }
0x8f: {  	_ = 	snop  }
0x90: {  	(tm) =	ssettm $0x1  }
0x91: {  	s17 =	sld [smem:$0x3FFB];
	_ =	sdelay $0x3  }
0x92: {  	_ =	strace s17  }
0x93: {  	s2 =	sld [smem:$0x3FFC];
	_ =	sdelay $0x3  }
0x94: {  	_ =	strace s2  }
0x95: {  	s2 =	sld [smem:$0x3FFD];
	_ =	sdelay $0x3  }
0x96: {  	_ =	strace s2  }
0x97: {  	_ =	strace $0x8FFFFFFF  }
0x98: {  	s18 =	sld [smem:$0x3FDB];
	_ =	sdelay $0x1  }
0x99: {  	s19 =	simm.s32 $_scs_section_size  }
0x9a: {  	s4 =	simm.s32 $_size__tile_overlayer_lowered;
	s5 =	simm.s32 $_tile_overlayer_lowered  }
0x9b: {  	s22 =	simm.s32 $0x1BFF;
	s21 =	sshll.u32 s5, $0x1;
	s2 =	sadd.s32 s19, s18  }
0x9c: {  	s6 =	simm.s32 $0x0;
	s20 =	sshll.u32 s4, $0x1;
	s4 =	sadd.s32 s21, s2  }
0x9d: {  	[timem:s6], [sflag:s22] =	dma.local [hbm:s4], s20  }
0x9e: {  	_ =	swait.ge [sflag:s22], s20  }
0x9f: {  	s3 =	ssub.s32 $0x0, s20;
	[sflag:s22] =	ssyncset.done $0x0  }
0xa0: {  	[sflag:s22] =	ssyncadd.s32 s3;
	_ =	sdelay $0x1  }
0xa1: {  	s23 =	simm.s32 $0x1B8B  }
0xa2: {  	_ =	swait.ge [sflag:s23], $0x1  }
0xa3: {  	[sflag:s23] =	ssyncset.done $0x0  }
0xa4: {  	s25 =	simm.s32 $0x1B8E;
	s24 =	sld [smem:$0x3FFE];
	[sflag:s23] =	ssyncadd.s32 $0xFFFFFFFF  }
0xa5: {  	s26 =	simm.s32 $execute0_lowered;
	[smem:$0x3FD2] =	sst s25  }
0xa6: {  	s4 =	sshll.u32 s26, $0x1;
	_ =	strace $0x80000046;
	[dreg:$0x1] =	wrdreg $0xFFFFFFFF  }
0xa7: {  	s28 =	simm.s32 $_size_execute0_lowered;
	s2 =	sadd.s32 s2, s4;
	[dreg:$0x0] =	wrdreg $0x0  }
0xa8: {  	s4 =	sshll.u32 s28, $0x1;
	[dreg:$0x2] =	wrdreg s2  }
0xa9: {  	[dreg:$0x3] =	wrdreg s4  }
0xaa: {  	[dreg:$0x4] =	wrdreg $0xC0  }
0xab: {  	_ =	task [dreg:s6], $0x5FFFF  }
0xac: {  	[dreg:$0x1] =	wrdreg $0xFFFFFFFF  }
0xad: {  	[dreg:$0x0] =	wrdreg $0x60  }
0xae: {  	[dreg:$0x2] =	wrdreg s24  }
0xaf: {  	[dreg:$0x3] =	wrdreg $0x9  }
0xb0: {  	_ =	task.clear_ibuf [dreg:s6], $0x4FFFF;
	_ =	strace $0x90000046  }
0xb1: {  	s29 =	simm.s32 $0x9;
	_ =	strace $0x80000048  }
0xb2: {  	_ =	swait.ge [sflag:s29], $0x1  }
0xb3: {  	[sflag:s29] =	ssyncadd.s32 $0xFFFFFFFF  }
0xb4: {  	_ =	strace $0x90000048  }
0xb5: {  	_ =	sfence  }
0xb6: {  	s30 =	sld [smem:$0x0];
	_ =	sdelay $0x2  }
0xb7: {  	s31 =	sshll.u32 s1, $0xD;
	s1 =	sshrl.u32 s1, $0x2  }
0xb8: {  	s3 =	sand.u32 $0x4000, s31;
	s1 =	sadd.s32 s1, s30  }
0xb9: {  	s0 =	sor.u32 s3, s0;
	s1 =	sshll.u32 s1, $0x11  }
0xba: {  	s0 =	sor.u32 s1, s0  }
0xbb: {  	s0 =	sadd.s32 $0x8F2B, s0  }
0xbc: {  	[sflag:s0] =	ssyncadd.remote.s32 $0x1  }
0xbd: {  	_ =	sfence.sel $0xFFFF  }
0xbe: {  	[dreg:$0x0] =	wrdreg $0xFFFFFFFF;
	(pc) =	sbr.abs _section_cstart, $3  }
0xbf: {  	[dreg:$0x1] =	wrdreg $0xFFFFFFFF  }
0xc0: {  	_ =	task.clear_ibuf [dreg:s6], $0x2FFFF;
	_ =	strace $0x9FFFFFFF  }
0xc1: {  	(tm) =	ssettm $0x7FFFFFFF  }
tec
execute0_lowered:
.L_overlay_start_1:
0x0: {  	(tag) =	ssettag $0x1  }
0x1: {  	s0 =	rddreg [dreg:$0x0]  }
0x2: {  	s1 =	srdreg.scid;
	s2 =	simm.s32 $0x0;
	s3 =	stileid.u32  }
0x3: {  	s10 =	simm.s32 $0x2;
	s11 =	simm.s32 $0x200;
	s12 =	simm.s32 $0x400  }
0x4: {  	s13 =	simm.s32 $0x600;
	s14 =	simm.s32 $0x80;
	s15 =	simm.s32 $0x800  }
0x5: {  	s16 =	simm.s32 $0x580;
	s17 =	simm.s32 $0x3400;
	s18 =	simm.s32 $0x3800  }
0x6: {  	s19 =	simm.s32 $0x680;
	s20 =	simm.s32 $0x3C00;
	s21 =	simm.s32 $0x700  }
0x7: {  	s22 =	simm.s32 $0x4000;
	s23 =	simm.s32 $0x780;
	s24 =	simm.s32 $0x4400  }
0x8: {  	s25 =	simm.s32 $0x1;
	s26 =	simm.s32 $0x4800;
	s1 =	sand.u32 $0x1, s1  }
0x9: {  	s28 =	simm.s32 $0x0;
	s3 =	sshll.u32 s3, $0x7;
	s4 =	sshll.u32 s1, $0x6  }
0xa: {  	[smem:$0x7FF] =	sst s2;
	s1 =	ssub.s32 $0x2, s1;
	s4 =	sor.u32 s4, s3  }
0xb: {  	s3 =	sadd.s32 $0x1600, s0;
	s31 =	sshrl.u32 s1, $0x1;
	s0 =	sadd.s32 s4, s0  }
0xc: {  	_ =	strace $0x80000047;
	s1 =	ssub.s32 s1, s31;
	s4 =	sadd.s32 $0x2600, s0  }
0xd: {  	v0 =	vlaneseq.u32;
	s5 =	sadd.s32 $0x2E00, s0;
	s6 =	sadd.s32 $0x3600, s0;
	s7 =	sadd.s32 $0x3E00, s0  }
0xe: {  	v0 =	vmul.u32 $0x8, v0;
	s8 =	sadd.s32 $0x4600, s0;
	s9 =	smax.u32 s1, $0x1;
	s1 =	simm.s32 $0x3000  }
.LBB2_1:
0xf: {  	[tilespmem:s2], [sflag:$0x2] =	stream.linear.gather [hbm4b:s4+s2], $0x200, $0x38;
	[tilespmem:$0x6000] =	vst v63  }
0x10: {  	_ =	swait.ge [sflag:s10], $0x200  }
0x11: {  	[sflag:s10] =	ssyncset.done $0x0  }
0x12: {  	[sflag:s10] =	ssyncadd.s32 $0xFFFFFE00  }
0x13: {  	[tilespmem:s11], [sflag:$0x2] =	stream.linear.gather [hbm4b:s5+s2], $0x200, $0x38;
	[tilespmem:$0x6000] =	vst v63  }
0x14: {  	_ =	swait.ge [sflag:s10], $0x200  }
0x15: {  	[sflag:s10] =	ssyncset.done $0x0  }
0x16: {  	[sflag:s10] =	ssyncadd.s32 $0xFFFFFE00  }
0x17: {  	[tilespmem:s12], [sflag:$0x2] =	stream.linear.gather [hbm4b:s6+s2], $0x200, $0x38;
	[tilespmem:$0x6000] =	vst v63  }
0x18: {  	_ =	swait.ge [sflag:s10], $0x200  }
0x19: {  	[sflag:s10] =	ssyncset.done $0x0  }
0x1a: {  	[sflag:s10] =	ssyncadd.s32 $0xFFFFFE00  }
0x1b: {  	[tilespmem:s13], [sflag:$0x2] =	stream.linear.gather [hbm4b:s7+s2], $0x200, $0x38;
	[tilespmem:$0x6000] =	vst v63  }
0x1c: {  	_ =	swait.ge [sflag:s10], $0x200  }
0x1d: {  	[sflag:s10] =	ssyncset.done $0x0  }
0x1e: {  	[sflag:s10] =	ssyncadd.s32 $0xFFFFFE00  }
0x1f: {  	[tilespmem:s15], [sflag:$0x1] =	stream.indirect.gather [hbm4b:s3+s14], $0x8, s2, s14, $0xb8;
	[tilespmem:$0x6000] =	vst v63  }
0x20: {  	s0 =	simm.s32 $0xC00  }
0x21: {  	[tilespmem:s0], [sflag:$0x1] =	stream.indirect.gather [hbm4b:s3+s14], $0x8, s14, s14, $0xb8;
	[tilespmem:$0x6000] =	vst v63  }
0x22: {  	s29 =	simm.s32 $0x1000;
	s0 =	simm.s32 $0x100  }
0x23: {  	[tilespmem:s29], [sflag:$0x1] =	stream.indirect.gather [hbm4b:s3+s14], $0x8, s0, s14, $0xb8;
	[tilespmem:$0x6000] =	vst v63  }
0x24: {  	s0 =	simm.s32 $0x180;
	s29 =	simm.s32 $0x1400  }
0x25: {  	[tilespmem:s29], [sflag:$0x1] =	stream.indirect.gather [hbm4b:s3+s14], $0x8, s0, s14, $0xb8;
	[tilespmem:$0x6000] =	vst v63  }
0x26: {  	s0 =	simm.s32 $0x1800  }
0x27: {  	[tilespmem:s0], [sflag:$0x1] =	stream.indirect.gather [hbm4b:s3+s14], $0x8, s11, s14, $0xb8;
	[tilespmem:$0x6000] =	vst v63  }
0x28: {  	s29 =	simm.s32 $0x1C00;
	s0 =	simm.s32 $0x280  }
0x29: {  	[tilespmem:s29], [sflag:$0x1] =	stream.indirect.gather [hbm4b:s3+s14], $0x8, s0, s14, $0xb8;
	[tilespmem:$0x6000] =	vst v63  }
0x2a: {  	s0 =	simm.s32 $0x300;
	s29 =	simm.s32 $0x2000  }
0x2b: {  	[tilespmem:s29], [sflag:$0x1] =	stream.indirect.gather [hbm4b:s3+s14], $0x8, s0, s14, $0xb8;
	[tilespmem:$0x6000] =	vst v63  }
0x2c: {  	s0 =	simm.s32 $0x380;
	s29 =	simm.s32 $0x2400  }
0x2d: {  	[tilespmem:s29], [sflag:$0x1] =	stream.indirect.gather [hbm4b:s3+s14], $0x8, s0, s14, $0xb8;
	[tilespmem:$0x6000] =	vst v63  }
0x2e: {  	s0 =	simm.s32 $0x2800  }
0x2f: {  	[tilespmem:s0], [sflag:$0x1] =	stream.indirect.gather [hbm4b:s3+s14], $0x8, s12, s14, $0xb8;
	[tilespmem:$0x6000] =	vst v63  }
0x30: {  	s29 =	simm.s32 $0x2C00;
	s0 =	simm.s32 $0x480  }
0x31: {  	[tilespmem:s29], [sflag:$0x1] =	stream.indirect.gather [hbm4b:s3+s14], $0x8, s0, s14, $0xb8;
	[tilespmem:$0x6000] =	vst v63  }
0x32: {  	s0 =	simm.s32 $0x500  }
0x33: {  	[tilespmem:s1], [sflag:$0x1] =	stream.indirect.gather [hbm4b:s3+s14], $0x8, s0, s14, $0xb8;
	[tilespmem:$0x6000] =	vst v63  }
0x34: {  	_ = 	snop  }
0x35: {  	[tilespmem:s17], [sflag:$0x1] =	stream.indirect.gather [hbm4b:s3+s14], $0x8, s16, s14, $0xb8;
	[tilespmem:$0x6000] =	vst v63  }
0x36: {  	_ = 	snop  }
0x37: {  	[tilespmem:s18], [sflag:$0x1] =	stream.indirect.gather [hbm4b:s3+s14], $0x8, s13, s14, $0xb8;
	[tilespmem:$0x6000] =	vst v63  }
0x38: {  	_ = 	snop  }
0x39: {  	[tilespmem:s20], [sflag:$0x1] =	stream.indirect.gather [hbm4b:s3+s14], $0x8, s19, s14, $0xb8;
	[tilespmem:$0x6000] =	vst v63  }
0x3a: {  	_ = 	snop  }
0x3b: {  	[tilespmem:s22], [sflag:$0x1] =	stream.indirect.gather [hbm4b:s3+s14], $0x8, s21, s14, $0xb8;
	[tilespmem:$0x6000] =	vst v63  }
0x3c: {  	_ = 	snop  }
0x3d: {  	[tilespmem:s24], [sflag:$0x1] =	stream.indirect.gather [hbm4b:s3+s14], $0x8, s23, s14, $0xb8;
	[tilespmem:$0x6000] =	vst v63  }
0x3e: {  	_ =	swait.ge [sflag:s25], $0x400  }
0x3f: {  	[sflag:s25] =	ssyncset.done $0x0  }
0x40: {  	[sflag:s25] =	ssyncadd.s32 $0xFFFFFC00  }
0x41: {  	_ =	swait.ge [sflag:s25], $0x400  }
0x42: {  	[sflag:s25] =	ssyncset.done $0x0  }
0x43: {  	[sflag:s25] =	ssyncadd.s32 $0xFFFFFC00  }
0x44: {  	_ =	swait.ge [sflag:s25], $0x400  }
0x45: {  	[sflag:s25] =	ssyncset.done $0x0  }
0x46: {  	[sflag:s25] =	ssyncadd.s32 $0xFFFFFC00  }
0x47: {  	_ =	swait.ge [sflag:s25], $0x400  }
0x48: {  	[sflag:s25] =	ssyncset.done $0x0  }
0x49: {  	[sflag:s25] =	ssyncadd.s32 $0xFFFFFC00  }
0x4a: {  	_ =	swait.ge [sflag:s25], $0x400  }
0x4b: {  	[sflag:s25] =	ssyncset.done $0x0  }
0x4c: {  	[sflag:s25] =	ssyncadd.s32 $0xFFFFFC00  }
0x4d: {  	_ =	swait.ge [sflag:s25], $0x400  }
0x4e: {  	[sflag:s25] =	ssyncset.done $0x0  }
0x4f: {  	[sflag:s25] =	ssyncadd.s32 $0xFFFFFC00  }
0x50: {  	_ =	swait.ge [sflag:s25], $0x400  }
0x51: {  	[sflag:s25] =	ssyncset.done $0x0  }
0x52: {  	[sflag:s25] =	ssyncadd.s32 $0xFFFFFC00  }
0x53: {  	_ =	swait.ge [sflag:s25], $0x400  }
0x54: {  	[sflag:s25] =	ssyncset.done $0x0  }
0x55: {  	[sflag:s25] =	ssyncadd.s32 $0xFFFFFC00  }
0x56: {  	_ =	swait.ge [sflag:s25], $0x400  }
0x57: {  	[sflag:s25] =	ssyncset.done $0x0  }
0x58: {  	[sflag:s25] =	ssyncadd.s32 $0xFFFFFC00  }
0x59: {  	_ =	swait.ge [sflag:s25], $0x400  }
0x5a: {  	[sflag:s25] =	ssyncset.done $0x0  }
0x5b: {  	[sflag:s25] =	ssyncadd.s32 $0xFFFFFC00  }
0x5c: {  	_ =	swait.ge [sflag:s25], $0x400  }
0x5d: {  	[sflag:s25] =	ssyncset.done $0x0  }
0x5e: {  	[sflag:s25] =	ssyncadd.s32 $0xFFFFFC00  }
0x5f: {  	_ =	swait.ge [sflag:s25], $0x400  }
0x60: {  	[sflag:s25] =	ssyncset.done $0x0  }
0x61: {  	[sflag:s25] =	ssyncadd.s32 $0xFFFFFC00  }
0x62: {  	_ =	swait.ge [sflag:s25], $0x400  }
0x63: {  	[sflag:s25] =	ssyncset.done $0x0  }
0x64: {  	[sflag:s25] =	ssyncadd.s32 $0xFFFFFC00  }
0x65: {  	_ =	swait.ge [sflag:s25], $0x400  }
0x66: {  	[sflag:s25] =	ssyncset.done $0x0  }
0x67: {  	v1 =	vmov s2;
	[sflag:s25] =	ssyncadd.s32 $0xFFFFFC00  }
0x68: {  	v1 =	vshll.u32 v1, $0x3;
	_ =	swait.ge [sflag:s25], $0x400  }
0x69: {  	v1 =	vor.u32 v0, v1;
	[sflag:s25] =	ssyncset.done $0x0  }
0x6a: {  	[sflag:s25] =	ssyncadd.s32 $0xFFFFFC00  }
0x6b: {  	_ =	swait.ge [sflag:s25], $0x400  }
0x6c: {  	[sflag:s25] =	ssyncset.done $0x0  }
0x6d: {  	[sflag:s25] =	ssyncadd.s32 $0xFFFFFC00  }
0x6e: {  	v2 =	vld.idx.msk [tilespmem:v1+s15+$0x0], $0xffff  }
0x6f: {  	v3 =	vor.u32 $0x1, v1;
	_ =	sdelay $0x2  }
0x70: {  	s29 =	simm.s32 $0x5400  }
0x71: {  	[tilespmem:s29+$0xFFFFF400] =	vst v2  }
0x72: {  	v2 =	vld.idx.msk [tilespmem:v3+s15+$0x0], $0xffff  }
0x73: {  	v1 =	vor.u32 $0x2, v1;
	_ =	sdelay $0x2  }
0x74: {  	s0 =	simm.s32 $0x200  }
0x75: {  	[tilespmem:s29+$0xFFFFF600] =	vst v2;
	v2 =	vmov s0  }
0x76: {  	v1 =	vld.idx.msk [tilespmem:v1+s15+$0x0], $0xffff;
	v2 =	vshll.u32 v2, $0x3  }
0x77: {  	v2 =	vor.u32 v0, v2;
	_ =	sdelay $0x3  }
0x78: {  	[tilespmem:s29+$0xFFFFF800] =	vst v1  }
0x79: {  	v1 =	vld.idx.msk [tilespmem:v2+s15+$0x0], $0xffff  }
0x7a: {  	v3 =	vor.u32 $0x1, v2;
	_ =	sdelay $0x3  }
0x7b: {  	[tilespmem:s29+$0xFFFFFA00] =	vst v1  }
0x7c: {  	v1 =	vld.idx.msk [tilespmem:v3+s15+$0x0], $0xffff  }
0x7d: {  	v2 =	vor.u32 $0x2, v2;
	_ =	sdelay $0x2  }
0x7e: {  	s0 =	simm.s32 $0x400  }
0x7f: {  	[tilespmem:s29+$0xFFFFFC00] =	vst v1;
	v1 =	vmov s0  }
0x80: {  	v2 =	vld.idx.msk [tilespmem:v2+s15+$0x0], $0xffff;
	v1 =	vshll.u32 v1, $0x3  }
0x81: {  	v1 =	vor.u32 v0, v1;
	_ =	sdelay $0x3  }
0x82: {  	[tilespmem:s29+$0xFFFFFE00] =	vst v2  }
0x83: {  	v2 =	vld.idx.msk [tilespmem:v1+s15+$0x0], $0xffff  }
0x84: {  	v3 =	vor.u32 $0x1, v1;
	_ =	sdelay $0x3  }
0x85: {  	[tilespmem:s29+$0x0] =	vst v2  }
0x86: {  	v2 =	vld.idx.msk [tilespmem:v3+s15+$0x0], $0xffff  }
0x87: {  	v1 =	vor.u32 $0x2, v1;
	_ =	sdelay $0x2  }
0x88: {  	s0 =	simm.s32 $0x600  }
0x89: {  	[tilespmem:s29+$0x200] =	vst v2;
	v2 =	vmov s0  }
0x8a: {  	v1 =	vld.idx.msk [tilespmem:v1+s15+$0x0], $0xffff;
	v2 =	vshll.u32 v2, $0x3  }
0x8b: {  	v2 =	vor.u32 v0, v2;
	_ =	sdelay $0x3  }
0x8c: {  	[tilespmem:s29+$0x400] =	vst v1  }
0x8d: {  	v1 =	vld.idx.msk [tilespmem:v2+s15+$0x0], $0xffff  }
0x8e: {  	v3 =	vor.u32 $0x1, v2;
	_ =	sdelay $0x3  }
0x8f: {  	[tilespmem:s29+$0x600] =	vst v1  }
0x90: {  	v1 =	vld.idx.msk [tilespmem:v3+s15+$0x0], $0xffff  }
0x91: {  	v3 =	vor.u32 $0x2, v2;
	_ =	sdelay $0x3  }
0x92: {  	s30 =	simm.s32 $0x10;
	[tilespmem:s29+$0x800] =	vst v1  }
0x93: {  	s31 =	simm.s32 $0x20;
	v2 =	vmov s30;
	v1 =	vld.idx.msk [tilespmem:v3+s15+$0x0], $0xffff  }
.LBB2_2:
0x94: {  	p0 =	sne.s32 s31, $0x70;
	v2 =	vshll.u32 v2, $0x3  }
0x95: {  	v2 =	vor.u32 v0, v2;
	_ =	sdelay $0x3  }
0x96: {  	[tilespmem:s29+$0xA00] =	vst v1  }
0x97: {  	v1 =	vld.idx.msk [tilespmem:v2+s15+$0x0], $0xffff;
	_ =	sdelay $0x1  }
0x98: {  	v3 =	vor.u32 $0x1, v2;
	_ =	sdelay $0x2  }
0x99: {  	s29 =	sadd.s32 $0x10, s29  }
0x9a: {  	[tilespmem:s29+$0xFFFFF400] =	vst v1  }
0x9b: {  	v1 =	vld.idx.msk [tilespmem:v3+s15+$0x0], $0xffff;
	_ =	sdelay $0x1  }
0x9c: {  	v2 =	vor.u32 $0x2, v2;
	_ =	sdelay $0x3  }
0x9d: {  	s0 =	sadd.s32 $0x200, s30;
	[tilespmem:s29+$0xFFFFF600] =	vst v1  }
0x9e: {  	v1 =	vld.idx.msk [tilespmem:v2+s15+$0x0], $0xffff;
	v2 =	vmov s0  }
0x9f: {  	v2 =	vshll.u32 v2, $0x3  }
0xa0: {  	v2 =	vor.u32 v0, v2;
	_ =	sdelay $0x3  }
0xa1: {  	[tilespmem:s29+$0xFFFFF800] =	vst v1  }
0xa2: {  	v1 =	vld.idx.msk [tilespmem:v2+s15+$0x0], $0xffff;
	_ =	sdelay $0x1  }
0xa3: {  	v3 =	vor.u32 $0x1, v2;
	_ =	sdelay $0x3  }
0xa4: {  	[tilespmem:s29+$0xFFFFFA00] =	vst v1  }
0xa5: {  	v1 =	vld.idx.msk [tilespmem:v3+s15+$0x0], $0xffff;
	_ =	sdelay $0x1  }
0xa6: {  	v2 =	vor.u32 $0x2, v2;
	_ =	sdelay $0x3  }
0xa7: {  	s0 =	sadd.s32 $0x400, s30;
	[tilespmem:s29+$0xFFFFFC00] =	vst v1  }
0xa8: {  	v1 =	vld.idx.msk [tilespmem:v2+s15+$0x0], $0xffff;
	v2 =	vmov s0  }
0xa9: {  	v2 =	vshll.u32 v2, $0x3  }
0xaa: {  	v2 =	vor.u32 v0, v2;
	_ =	sdelay $0x3  }
0xab: {  	[tilespmem:s29+$0xFFFFFE00] =	vst v1  }
0xac: {  	v1 =	vld.idx.msk [tilespmem:v2+s15+$0x0], $0xffff;
	_ =	sdelay $0x1  }
0xad: {  	v3 =	vor.u32 $0x1, v2;
	_ =	sdelay $0x3  }
0xae: {  	[tilespmem:s29+$0x0] =	vst v1  }
0xaf: {  	v1 =	vld.idx.msk [tilespmem:v3+s15+$0x0], $0xffff;
	_ =	sdelay $0x1  }
0xb0: {  	v2 =	vor.u32 $0x2, v2;
	_ =	sdelay $0x3  }
0xb1: {  	s0 =	sadd.s32 $0x600, s30;
	s30 =	smov.u32 s31;
	[tilespmem:s29+$0x200] =	vst v1  }
0xb2: {  	v1 =	vld.idx.msk [tilespmem:v2+s15+$0x0], $0xffff;
	v2 =	vmov s0  }
0xb3: {  	v2 =	vshll.u32 v2, $0x3  }
0xb4: {  	v2 =	vor.u32 v0, v2;
	_ =	sdelay $0x3  }
0xb5: {  	[tilespmem:s29+$0x400] =	vst v1  }
0xb6: {  	v1 =	vld.idx.msk [tilespmem:v2+s15+$0x0], $0xffff;
	_ =	sdelay $0x1  }
0xb7: {  	v3 =	vor.u32 $0x1, v2;
	_ =	sdelay $0x3  }
0xb8: {  	[tilespmem:s29+$0x600] =	vst v1  }
0xb9: {  	v1 =	vld.idx.msk [tilespmem:v3+s15+$0x0], $0xffff;
	_ =	sdelay $0x1  }
0xba: {  	v3 =	vor.u32 $0x2, v2  }
.Ltmp0:
0xbb: {  	(pc) =	sbr.rel @p0 .LBB2_2-.Ltmp0, $3  }
0xbc: {  	_ =	sdelay $0x1  }
0xbd: {  	[tilespmem:s29+$0x800] =	vst v1  }
0xbe: {  	s31 =	sadd.s32 $0x10, s31;
	v2 =	vmov s30;
	v1 =	vld.idx.msk [tilespmem:v3+s15+$0x0], $0xffff  }
0xbf: {  	v2 =	vshll.u32 v2, $0x3  }
0xc0: {  	v2 =	vor.u32 v0, v2;
	_ =	sdelay $0x3  }
0xc1: {  	[tilespmem:s29+$0xA00] =	vst v1  }
0xc2: {  	v1 =	vld.idx.msk [tilespmem:v2+s15+$0x0], $0xffff  }
0xc3: {  	v3 =	vor.u32 $0x1, v2;
	_ =	sdelay $0x2  }
0xc4: {  	s0 =	sadd.s32 $0x10, s29  }
0xc5: {  	[tilespmem:s0+$0xFFFFF400] =	vst v1  }
0xc6: {  	v1 =	vld.idx.msk [tilespmem:v3+s15+$0x0], $0xffff  }
0xc7: {  	v2 =	vor.u32 $0x2, v2;
	_ =	sdelay $0x2  }
0xc8: {  	s29 =	sadd.s32 $0x200, s30  }
0xc9: {  	[tilespmem:s0+$0xFFFFF600] =	vst v1;
	v1 =	vmov s29  }
0xca: {  	v2 =	vld.idx.msk [tilespmem:v2+s15+$0x0], $0xffff;
	v1 =	vshll.u32 v1, $0x3  }
0xcb: {  	v1 =	vor.u32 v0, v1;
	_ =	sdelay $0x3  }
0xcc: {  	[tilespmem:s0+$0xFFFFF800] =	vst v2  }
0xcd: {  	v2 =	vld.idx.msk [tilespmem:v1+s15+$0x0], $0xffff  }
0xce: {  	v3 =	vor.u32 $0x1, v1;
	_ =	sdelay $0x3  }
0xcf: {  	[tilespmem:s0+$0xFFFFFA00] =	vst v2  }
0xd0: {  	v2 =	vld.idx.msk [tilespmem:v3+s15+$0x0], $0xffff  }
0xd1: {  	v1 =	vor.u32 $0x2, v1;
	_ =	sdelay $0x2  }
0xd2: {  	s29 =	sadd.s32 $0x400, s30  }
0xd3: {  	[tilespmem:s0+$0xFFFFFC00] =	vst v2;
	v2 =	vmov s29  }
0xd4: {  	v1 =	vld.idx.msk [tilespmem:v1+s15+$0x0], $0xffff;
	v2 =	vshll.u32 v2, $0x3  }
0xd5: {  	v2 =	vor.u32 v0, v2;
	_ =	sdelay $0x3  }
0xd6: {  	[tilespmem:s0+$0xFFFFFE00] =	vst v1  }
0xd7: {  	v1 =	vld.idx.msk [tilespmem:v2+s15+$0x0], $0xffff  }
0xd8: {  	v3 =	vor.u32 $0x1, v2;
	_ =	sdelay $0x3  }
0xd9: {  	[tilespmem:s0+$0x0] =	vst v1  }
0xda: {  	v1 =	vld.idx.msk [tilespmem:v3+s15+$0x0], $0xffff  }
0xdb: {  	v2 =	vor.u32 $0x2, v2;
	_ =	sdelay $0x2  }
0xdc: {  	s29 =	sadd.s32 $0x600, s30  }
0xdd: {  	[tilespmem:s0+$0x200] =	vst v1;
	v1 =	vmov s29  }
0xde: {  	v2 =	vld.idx.msk [tilespmem:v2+s15+$0x0], $0xffff;
	v1 =	vshll.u32 v1, $0x3  }
0xdf: {  	v1 =	vor.u32 v0, v1;
	_ =	sdelay $0x3  }
0xe0: {  	[tilespmem:s0+$0x400] =	vst v2  }
0xe1: {  	v2 =	vld.idx.msk [tilespmem:v1+s15+$0x0], $0xffff  }
0xe2: {  	v3 =	vor.u32 $0x1, v1;
	_ =	sdelay $0x3  }
0xe3: {  	[tilespmem:s0+$0x600] =	vst v2  }
0xe4: {  	v2 =	vld.idx.msk [tilespmem:v3+s15+$0x0], $0xffff  }
0xe5: {  	v1 =	vor.u32 $0x2, v1;
	_ =	sdelay $0x2  }
0xe6: {  	s29 =	simm.s32 $0x80  }
0xe7: {  	[tilespmem:s0+$0x800] =	vst v2;
	v2 =	vmov s29  }
0xe8: {  	v1 =	vld.idx.msk [tilespmem:v1+s15+$0x0], $0xffff;
	v2 =	vshll.u32 v2, $0x3  }
0xe9: {  	v2 =	vor.u32 v0, v2;
	_ =	sdelay $0x3  }
0xea: {  	[tilespmem:s0+$0xA00] =	vst v1  }
0xeb: {  	v1 =	vld.idx.msk [tilespmem:v2+s15+$0x0], $0xffff  }
0xec: {  	v3 =	vor.u32 $0x1, v2;
	_ =	sdelay $0x2  }
0xed: {  	s29 =	simm.s32 $0x5480  }
0xee: {  	[tilespmem:s29+$0xFFFFF400] =	vst v1  }
0xef: {  	v1 =	vld.idx.msk [tilespmem:v3+s15+$0x0], $0xffff  }
0xf0: {  	v2 =	vor.u32 $0x2, v2;
	_ =	sdelay $0x2  }
0xf1: {  	s0 =	simm.s32 $0x280  }
0xf2: {  	[tilespmem:s29+$0xFFFFF600] =	vst v1;
	v1 =	vmov s0  }
0xf3: {  	v2 =	vld.idx.msk [tilespmem:v2+s15+$0x0], $0xffff;
	v1 =	vshll.u32 v1, $0x3  }
0xf4: {  	v1 =	vor.u32 v0, v1;
	_ =	sdelay $0x3  }
0xf5: {  	[tilespmem:s29+$0xFFFFF800] =	vst v2  }
0xf6: {  	v2 =	vld.idx.msk [tilespmem:v1+s15+$0x0], $0xffff  }
0xf7: {  	v3 =	vor.u32 $0x1, v1;
	_ =	sdelay $0x3  }
0xf8: {  	[tilespmem:s29+$0xFFFFFA00] =	vst v2  }
0xf9: {  	v2 =	vld.idx.msk [tilespmem:v3+s15+$0x0], $0xffff  }
0xfa: {  	v1 =	vor.u32 $0x2, v1;
	_ =	sdelay $0x2  }
0xfb: {  	s0 =	simm.s32 $0x480  }
0xfc: {  	[tilespmem:s29+$0xFFFFFC00] =	vst v2;
	v2 =	vmov s0  }
0xfd: {  	v1 =	vld.idx.msk [tilespmem:v1+s15+$0x0], $0xffff;
	v2 =	vshll.u32 v2, $0x3  }
0xfe: {  	v2 =	vor.u32 v0, v2;
	_ =	sdelay $0x3  }
0xff: {  	[tilespmem:s29+$0xFFFFFE00] =	vst v1  }
0x100: {  	v1 =	vld.idx.msk [tilespmem:v2+s15+$0x0], $0xffff  }
0x101: {  	v3 =	vor.u32 $0x1, v2;
	_ =	sdelay $0x3  }
0x102: {  	[tilespmem:s29+$0x0] =	vst v1  }
0x103: {  	v1 =	vld.idx.msk [tilespmem:v3+s15+$0x0], $0xffff  }
0x104: {  	v2 =	vor.u32 $0x2, v2;
	_ =	sdelay $0x2  }
0x105: {  	s0 =	simm.s32 $0x680  }
0x106: {  	[tilespmem:s29+$0x200] =	vst v1;
	v1 =	vmov s0  }
0x107: {  	v2 =	vld.idx.msk [tilespmem:v2+s15+$0x0], $0xffff;
	v1 =	vshll.u32 v1, $0x3  }
0x108: {  	v1 =	vor.u32 v0, v1;
	_ =	sdelay $0x3  }
0x109: {  	[tilespmem:s29+$0x400] =	vst v2  }
0x10a: {  	v2 =	vld.idx.msk [tilespmem:v1+s15+$0x0], $0xffff  }
0x10b: {  	v3 =	vor.u32 $0x1, v1;
	_ =	sdelay $0x3  }
0x10c: {  	[tilespmem:s29+$0x600] =	vst v2  }
0x10d: {  	v2 =	vld.idx.msk [tilespmem:v3+s15+$0x0], $0xffff  }
0x10e: {  	v1 =	vor.u32 $0x2, v1;
	_ =	sdelay $0x3  }
0x10f: {  	s31 =	simm.s32 $0x4A0;
	s30 =	simm.s32 $0x490;
	s0 =	simm.s32 $0x90;
	[tilespmem:s29+$0x800] =	vst v2  }
.LBB2_4:
0x110: {  	p0 =	sne.s32 s31, $0x4F0;
	v2 =	vmov s0;
	v1 =	vld.idx.msk [tilespmem:v1+s15+$0x0], $0xffff  }
0x111: {  	v2 =	vshll.u32 v2, $0x3  }
0x112: {  	v2 =	vor.u32 v0, v2;
	_ =	sdelay $0x3  }
0x113: {  	[tilespmem:s29+$0xA00] =	vst v1  }
0x114: {  	v1 =	vld.idx.msk [tilespmem:v2+s15+$0x0], $0xffff;
	_ =	sdelay $0x1  }
0x115: {  	v3 =	vor.u32 $0x1, v2;
	_ =	sdelay $0x2  }
0x116: {  	s29 =	sadd.s32 $0x10, s29  }
0x117: {  	[tilespmem:s29+$0xFFFFF400] =	vst v1  }
0x118: {  	v1 =	vld.idx.msk [tilespmem:v3+s15+$0x0], $0xffff;
	_ =	sdelay $0x1  }
0x119: {  	v2 =	vor.u32 $0x2, v2;
	_ =	sdelay $0x3  }
0x11a: {  	s0 =	sadd.s32 $0xFFFFFE00, s30;
	[tilespmem:s29+$0xFFFFF600] =	vst v1  }
0x11b: {  	v1 =	vld.idx.msk [tilespmem:v2+s15+$0x0], $0xffff;
	v2 =	vmov s0  }
0x11c: {  	v2 =	vshll.u32 v2, $0x3  }
0x11d: {  	v2 =	vor.u32 v0, v2;
	_ =	sdelay $0x3  }
0x11e: {  	[tilespmem:s29+$0xFFFFF800] =	vst v1  }
0x11f: {  	v1 =	vld.idx.msk [tilespmem:v2+s15+$0x0], $0xffff;
	_ =	sdelay $0x1  }
0x120: {  	v3 =	vor.u32 $0x1, v2;
	_ =	sdelay $0x3  }
0x121: {  	[tilespmem:s29+$0xFFFFFA00] =	vst v1  }
0x122: {  	v1 =	vld.idx.msk [tilespmem:v3+s15+$0x0], $0xffff;
	_ =	sdelay $0x1  }
0x123: {  	v2 =	vor.u32 $0x2, v2;
	_ =	sdelay $0x3  }
0x124: {  	[tilespmem:s29+$0xFFFFFC00] =	vst v1  }
0x125: {  	v1 =	vld.idx.msk [tilespmem:v2+s15+$0x0], $0xffff;
	v2 =	vmov s30  }
0x126: {  	v2 =	vshll.u32 v2, $0x3  }
0x127: {  	v2 =	vor.u32 v0, v2;
	_ =	sdelay $0x3  }
0x128: {  	[tilespmem:s29+$0xFFFFFE00] =	vst v1  }
0x129: {  	v1 =	vld.idx.msk [tilespmem:v2+s15+$0x0], $0xffff;
	_ =	sdelay $0x1  }
0x12a: {  	v3 =	vor.u32 $0x1, v2;
	_ =	sdelay $0x3  }
0x12b: {  	[tilespmem:s29+$0x0] =	vst v1  }
0x12c: {  	v1 =	vld.idx.msk [tilespmem:v3+s15+$0x0], $0xffff;
	_ =	sdelay $0x1  }
0x12d: {  	v2 =	vor.u32 $0x2, v2;
	_ =	sdelay $0x3  }
0x12e: {  	s0 =	sadd.s32 $0x200, s30;
	s30 =	smov.u32 s31;
	[tilespmem:s29+$0x200] =	vst v1  }
0x12f: {  	v1 =	vld.idx.msk [tilespmem:v2+s15+$0x0], $0xffff;
	v2 =	vmov s0  }
0x130: {  	v2 =	vshll.u32 v2, $0x3  }
0x131: {  	v2 =	vor.u32 v0, v2;
	_ =	sdelay $0x3  }
0x132: {  	[tilespmem:s29+$0x400] =	vst v1  }
0x133: {  	v1 =	vld.idx.msk [tilespmem:v2+s15+$0x0], $0xffff;
	_ =	sdelay $0x1  }
0x134: {  	v3 =	vor.u32 $0x1, v2;
	_ =	sdelay $0x3  }
0x135: {  	[tilespmem:s29+$0x600] =	vst v1  }
0x136: {  	v3 =	vld.idx.msk [tilespmem:v3+s15+$0x0], $0xffff;
	_ =	sdelay $0x1  }
.Ltmp1:
0x137: {  	v1 =	vor.u32 $0x2, v2;
	(pc) =	sbr.rel @p0 .LBB2_4-.Ltmp1, $2  }
0x138: {  	_ =	sdelay $0x2  }
0x139: {  	s31 =	sadd.s32 $0x10, s31;
	s0 =	sadd.s32 $0xFFFFFC00, s30;
	[tilespmem:s29+$0x800] =	vst v3  }
0x13a: {  	_ =	sdelay $0x2  }
0x13b: {  	v2 =	vmov s0  }
0x13c: {  	v1 =	vld.idx.msk [tilespmem:v1+s15+$0x0], $0xffff;
	v2 =	vshll.u32 v2, $0x3  }
0x13d: {  	v2 =	vor.u32 v0, v2;
	_ =	sdelay $0x3  }
0x13e: {  	[tilespmem:s29+$0xA00] =	vst v1  }
0x13f: {  	v1 =	vld.idx.msk [tilespmem:v2+s15+$0x0], $0xffff  }
0x140: {  	v3 =	vor.u32 $0x1, v2;
	_ =	sdelay $0x2  }
0x141: {  	s0 =	sadd.s32 $0x10, s29  }
0x142: {  	[tilespmem:s0+$0xFFFFF400] =	vst v1  }
0x143: {  	v1 =	vld.idx.msk [tilespmem:v3+s15+$0x0], $0xffff  }
0x144: {  	v2 =	vor.u32 $0x2, v2;
	_ =	sdelay $0x2  }
0x145: {  	s29 =	sadd.s32 $0xFFFFFE00, s30  }
0x146: {  	[tilespmem:s0+$0xFFFFF600] =	vst v1;
	v1 =	vmov s29  }
0x147: {  	v2 =	vld.idx.msk [tilespmem:v2+s15+$0x0], $0xffff;
	v1 =	vshll.u32 v1, $0x3  }
0x148: {  	v1 =	vor.u32 v0, v1;
	_ =	sdelay $0x3  }
0x149: {  	[tilespmem:s0+$0xFFFFF800] =	vst v2  }
0x14a: {  	v2 =	vld.idx.msk [tilespmem:v1+s15+$0x0], $0xffff  }
0x14b: {  	v3 =	vor.u32 $0x1, v1;
	_ =	sdelay $0x3  }
0x14c: {  	[tilespmem:s0+$0xFFFFFA00] =	vst v2  }
0x14d: {  	v2 =	vld.idx.msk [tilespmem:v3+s15+$0x0], $0xffff  }
0x14e: {  	v1 =	vor.u32 $0x2, v1;
	_ =	sdelay $0x3  }
0x14f: {  	[tilespmem:s0+$0xFFFFFC00] =	vst v2;
	v2 =	vmov s30  }
0x150: {  	v1 =	vld.idx.msk [tilespmem:v1+s15+$0x0], $0xffff;
	v2 =	vshll.u32 v2, $0x3  }
0x151: {  	v2 =	vor.u32 v0, v2;
	_ =	sdelay $0x3  }
0x152: {  	[tilespmem:s0+$0xFFFFFE00] =	vst v1  }
0x153: {  	v1 =	vld.idx.msk [tilespmem:v2+s15+$0x0], $0xffff  }
0x154: {  	v3 =	vor.u32 $0x1, v2;
	_ =	sdelay $0x3  }
0x155: {  	[tilespmem:s0+$0x0] =	vst v1  }
0x156: {  	v1 =	vld.idx.msk [tilespmem:v3+s15+$0x0], $0xffff  }
0x157: {  	v2 =	vor.u32 $0x2, v2;
	_ =	sdelay $0x2  }
0x158: {  	s29 =	sadd.s32 $0x200, s30  }
0x159: {  	[tilespmem:s0+$0x200] =	vst v1;
	v1 =	vmov s29  }
0x15a: {  	v2 =	vld.idx.msk [tilespmem:v2+s15+$0x0], $0xffff;
	v1 =	vshll.u32 v1, $0x3  }
0x15b: {  	v1 =	vor.u32 v0, v1;
	_ =	sdelay $0x3  }
0x15c: {  	[tilespmem:s0+$0x400] =	vst v2  }
0x15d: {  	v2 =	vld.idx.msk [tilespmem:v1+s15+$0x0], $0xffff  }
0x15e: {  	v3 =	vor.u32 $0x1, v1;
	_ =	sdelay $0x3  }
0x15f: {  	[tilespmem:s0+$0x600] =	vst v2  }
0x160: {  	v2 =	vld.idx.msk [tilespmem:v3+s15+$0x0], $0xffff  }
0x161: {  	v1 =	vor.u32 $0x2, v1;
	_ =	sdelay $0x2  }
0x162: {  	s29 =	simm.s32 $0x100  }
0x163: {  	[tilespmem:s0+$0x800] =	vst v2;
	v2 =	vmov s29  }
0x164: {  	v1 =	vld.idx.msk [tilespmem:v1+s15+$0x0], $0xffff;
	v2 =	vshll.u32 v2, $0x3  }
0x165: {  	v2 =	vor.u32 v0, v2;
	_ =	sdelay $0x3  }
0x166: {  	[tilespmem:s0+$0xA00] =	vst v1  }
0x167: {  	v1 =	vld.idx.msk [tilespmem:v2+s15+$0x0], $0xffff  }
0x168: {  	v3 =	vor.u32 $0x1, v2;
	_ =	sdelay $0x2  }
0x169: {  	s29 =	simm.s32 $0x5500  }
0x16a: {  	[tilespmem:s29+$0xFFFFF400] =	vst v1  }
0x16b: {  	v1 =	vld.idx.msk [tilespmem:v3+s15+$0x0], $0xffff  }
0x16c: {  	v2 =	vor.u32 $0x2, v2;
	_ =	sdelay $0x2  }
0x16d: {  	s0 =	simm.s32 $0x300  }
0x16e: {  	[tilespmem:s29+$0xFFFFF600] =	vst v1;
	v1 =	vmov s0  }
0x16f: {  	v2 =	vld.idx.msk [tilespmem:v2+s15+$0x0], $0xffff;
	v1 =	vshll.u32 v1, $0x3  }
0x170: {  	v1 =	vor.u32 v0, v1;
	_ =	sdelay $0x3  }
0x171: {  	[tilespmem:s29+$0xFFFFF800] =	vst v2  }
0x172: {  	v2 =	vld.idx.msk [tilespmem:v1+s15+$0x0], $0xffff  }
0x173: {  	v3 =	vor.u32 $0x1, v1;
	_ =	sdelay $0x3  }
0x174: {  	[tilespmem:s29+$0xFFFFFA00] =	vst v2  }
0x175: {  	v2 =	vld.idx.msk [tilespmem:v3+s15+$0x0], $0xffff  }
0x176: {  	v1 =	vor.u32 $0x2, v1;
	_ =	sdelay $0x2  }
0x177: {  	s0 =	simm.s32 $0x500  }
0x178: {  	[tilespmem:s29+$0xFFFFFC00] =	vst v2;
	v2 =	vmov s0  }
0x179: {  	v1 =	vld.idx.msk [tilespmem:v1+s15+$0x0], $0xffff;
	v2 =	vshll.u32 v2, $0x3  }
0x17a: {  	v2 =	vor.u32 v0, v2;
	_ =	sdelay $0x3  }
0x17b: {  	[tilespmem:s29+$0xFFFFFE00] =	vst v1  }
0x17c: {  	v1 =	vld.idx.msk [tilespmem:v2+s15+$0x0], $0xffff  }
0x17d: {  	v3 =	vor.u32 $0x1, v2;
	_ =	sdelay $0x3  }
0x17e: {  	[tilespmem:s29+$0x0] =	vst v1  }
0x17f: {  	v1 =	vld.idx.msk [tilespmem:v3+s15+$0x0], $0xffff  }
0x180: {  	v2 =	vor.u32 $0x2, v2;
	_ =	sdelay $0x2  }
0x181: {  	s0 =	simm.s32 $0x700  }
0x182: {  	[tilespmem:s29+$0x200] =	vst v1;
	v1 =	vmov s0  }
0x183: {  	v2 =	vld.idx.msk [tilespmem:v2+s15+$0x0], $0xffff;
	v1 =	vshll.u32 v1, $0x3  }
0x184: {  	v1 =	vor.u32 v0, v1;
	_ =	sdelay $0x3  }
0x185: {  	[tilespmem:s29+$0x400] =	vst v2  }
0x186: {  	v2 =	vld.idx.msk [tilespmem:v1+s15+$0x0], $0xffff  }
0x187: {  	v3 =	vor.u32 $0x1, v1;
	_ =	sdelay $0x3  }
0x188: {  	[tilespmem:s29+$0x600] =	vst v2  }
0x189: {  	v2 =	vld.idx.msk [tilespmem:v3+s15+$0x0], $0xffff  }
0x18a: {  	v1 =	vor.u32 $0x2, v1;
	_ =	sdelay $0x3  }
0x18b: {  	s31 =	simm.s32 $0x520;
	s30 =	simm.s32 $0x510;
	s0 =	simm.s32 $0x110;
	[tilespmem:s29+$0x800] =	vst v2  }
.LBB2_6:
0x18c: {  	p0 =	sne.s32 s31, $0x570;
	v2 =	vmov s0;
	v1 =	vld.idx.msk [tilespmem:v1+s15+$0x0], $0xffff  }
0x18d: {  	v2 =	vshll.u32 v2, $0x3  }
0x18e: {  	v2 =	vor.u32 v0, v2;
	_ =	sdelay $0x3  }
0x18f: {  	[tilespmem:s29+$0xA00] =	vst v1  }
0x190: {  	v1 =	vld.idx.msk [tilespmem:v2+s15+$0x0], $0xffff;
	_ =	sdelay $0x1  }
0x191: {  	v3 =	vor.u32 $0x1, v2;
	_ =	sdelay $0x2  }
0x192: {  	s29 =	sadd.s32 $0x10, s29  }
0x193: {  	[tilespmem:s29+$0xFFFFF400] =	vst v1  }
0x194: {  	v1 =	vld.idx.msk [tilespmem:v3+s15+$0x0], $0xffff;
	_ =	sdelay $0x1  }
0x195: {  	v2 =	vor.u32 $0x2, v2;
	_ =	sdelay $0x3  }
0x196: {  	s0 =	sadd.s32 $0xFFFFFE00, s30;
	[tilespmem:s29+$0xFFFFF600] =	vst v1  }
0x197: {  	v1 =	vld.idx.msk [tilespmem:v2+s15+$0x0], $0xffff;
	v2 =	vmov s0  }
0x198: {  	v2 =	vshll.u32 v2, $0x3  }
0x199: {  	v2 =	vor.u32 v0, v2;
	_ =	sdelay $0x3  }
0x19a: {  	[tilespmem:s29+$0xFFFFF800] =	vst v1  }
0x19b: {  	v1 =	vld.idx.msk [tilespmem:v2+s15+$0x0], $0xffff;
	_ =	sdelay $0x1  }
0x19c: {  	v3 =	vor.u32 $0x1, v2;
	_ =	sdelay $0x3  }
0x19d: {  	[tilespmem:s29+$0xFFFFFA00] =	vst v1  }
0x19e: {  	v1 =	vld.idx.msk [tilespmem:v3+s15+$0x0], $0xffff;
	_ =	sdelay $0x1  }
0x19f: {  	v2 =	vor.u32 $0x2, v2;
	_ =	sdelay $0x3  }
0x1a0: {  	[tilespmem:s29+$0xFFFFFC00] =	vst v1  }
0x1a1: {  	v1 =	vld.idx.msk [tilespmem:v2+s15+$0x0], $0xffff;
	v2 =	vmov s30  }
0x1a2: {  	v2 =	vshll.u32 v2, $0x3  }
0x1a3: {  	v2 =	vor.u32 v0, v2;
	_ =	sdelay $0x3  }
0x1a4: {  	[tilespmem:s29+$0xFFFFFE00] =	vst v1  }
0x1a5: {  	v1 =	vld.idx.msk [tilespmem:v2+s15+$0x0], $0xffff;
	_ =	sdelay $0x1  }
0x1a6: {  	v3 =	vor.u32 $0x1, v2;
	_ =	sdelay $0x3  }
0x1a7: {  	[tilespmem:s29+$0x0] =	vst v1  }
0x1a8: {  	v1 =	vld.idx.msk [tilespmem:v3+s15+$0x0], $0xffff;
	_ =	sdelay $0x1  }
0x1a9: {  	v2 =	vor.u32 $0x2, v2;
	_ =	sdelay $0x3  }
0x1aa: {  	s0 =	sadd.s32 $0x200, s30;
	s30 =	smov.u32 s31;
	[tilespmem:s29+$0x200] =	vst v1  }
0x1ab: {  	v1 =	vld.idx.msk [tilespmem:v2+s15+$0x0], $0xffff;
	v2 =	vmov s0  }
0x1ac: {  	v2 =	vshll.u32 v2, $0x3  }
0x1ad: {  	v2 =	vor.u32 v0, v2;
	_ =	sdelay $0x3  }
0x1ae: {  	[tilespmem:s29+$0x400] =	vst v1  }
0x1af: {  	v1 =	vld.idx.msk [tilespmem:v2+s15+$0x0], $0xffff;
	_ =	sdelay $0x1  }
0x1b0: {  	v3 =	vor.u32 $0x1, v2;
	_ =	sdelay $0x3  }
0x1b1: {  	[tilespmem:s29+$0x600] =	vst v1  }
0x1b2: {  	v3 =	vld.idx.msk [tilespmem:v3+s15+$0x0], $0xffff;
	_ =	sdelay $0x1  }
.Ltmp2:
0x1b3: {  	v1 =	vor.u32 $0x2, v2;
	(pc) =	sbr.rel @p0 .LBB2_6-.Ltmp2, $2  }
0x1b4: {  	_ =	sdelay $0x2  }
0x1b5: {  	s31 =	sadd.s32 $0x10, s31;
	s0 =	sadd.s32 $0xFFFFFC00, s30;
	[tilespmem:s29+$0x800] =	vst v3  }
0x1b6: {  	_ =	sdelay $0x2  }
0x1b7: {  	v2 =	vmov s0  }
0x1b8: {  	v1 =	vld.idx.msk [tilespmem:v1+s15+$0x0], $0xffff;
	v2 =	vshll.u32 v2, $0x3  }
0x1b9: {  	v2 =	vor.u32 v0, v2;
	_ =	sdelay $0x3  }
0x1ba: {  	[tilespmem:s29+$0xA00] =	vst v1  }
0x1bb: {  	v1 =	vld.idx.msk [tilespmem:v2+s15+$0x0], $0xffff  }
0x1bc: {  	v3 =	vor.u32 $0x1, v2;
	_ =	sdelay $0x2  }
0x1bd: {  	s0 =	sadd.s32 $0x10, s29  }
0x1be: {  	[tilespmem:s0+$0xFFFFF400] =	vst v1  }
0x1bf: {  	v1 =	vld.idx.msk [tilespmem:v3+s15+$0x0], $0xffff  }
0x1c0: {  	v2 =	vor.u32 $0x2, v2;
	_ =	sdelay $0x2  }
0x1c1: {  	s29 =	sadd.s32 $0xFFFFFE00, s30  }
0x1c2: {  	[tilespmem:s0+$0xFFFFF600] =	vst v1;
	v1 =	vmov s29  }
0x1c3: {  	v2 =	vld.idx.msk [tilespmem:v2+s15+$0x0], $0xffff;
	v1 =	vshll.u32 v1, $0x3  }
0x1c4: {  	v1 =	vor.u32 v0, v1;
	_ =	sdelay $0x3  }
0x1c5: {  	[tilespmem:s0+$0xFFFFF800] =	vst v2  }
0x1c6: {  	v2 =	vld.idx.msk [tilespmem:v1+s15+$0x0], $0xffff  }
0x1c7: {  	v3 =	vor.u32 $0x1, v1;
	_ =	sdelay $0x3  }
0x1c8: {  	[tilespmem:s0+$0xFFFFFA00] =	vst v2  }
0x1c9: {  	v2 =	vld.idx.msk [tilespmem:v3+s15+$0x0], $0xffff  }
0x1ca: {  	v1 =	vor.u32 $0x2, v1;
	_ =	sdelay $0x3  }
0x1cb: {  	[tilespmem:s0+$0xFFFFFC00] =	vst v2;
	v2 =	vmov s30  }
0x1cc: {  	v1 =	vld.idx.msk [tilespmem:v1+s15+$0x0], $0xffff;
	v2 =	vshll.u32 v2, $0x3  }
0x1cd: {  	v2 =	vor.u32 v0, v2;
	_ =	sdelay $0x3  }
0x1ce: {  	[tilespmem:s0+$0xFFFFFE00] =	vst v1  }
0x1cf: {  	v1 =	vld.idx.msk [tilespmem:v2+s15+$0x0], $0xffff  }
0x1d0: {  	v3 =	vor.u32 $0x1, v2;
	_ =	sdelay $0x3  }
0x1d1: {  	[tilespmem:s0+$0x0] =	vst v1  }
0x1d2: {  	v1 =	vld.idx.msk [tilespmem:v3+s15+$0x0], $0xffff  }
0x1d3: {  	v2 =	vor.u32 $0x2, v2;
	_ =	sdelay $0x2  }
0x1d4: {  	s29 =	sadd.s32 $0x200, s30  }
0x1d5: {  	[tilespmem:s0+$0x200] =	vst v1;
	v1 =	vmov s29  }
0x1d6: {  	v2 =	vld.idx.msk [tilespmem:v2+s15+$0x0], $0xffff;
	v1 =	vshll.u32 v1, $0x3  }
0x1d7: {  	v1 =	vor.u32 v0, v1;
	_ =	sdelay $0x3  }
0x1d8: {  	[tilespmem:s0+$0x400] =	vst v2  }
0x1d9: {  	v2 =	vld.idx.msk [tilespmem:v1+s15+$0x0], $0xffff  }
0x1da: {  	v3 =	vor.u32 $0x1, v1;
	_ =	sdelay $0x3  }
0x1db: {  	[tilespmem:s0+$0x600] =	vst v2  }
0x1dc: {  	v2 =	vld.idx.msk [tilespmem:v3+s15+$0x0], $0xffff  }
0x1dd: {  	v1 =	vor.u32 $0x2, v1;
	_ =	sdelay $0x2  }
0x1de: {  	s29 =	simm.s32 $0x180  }
0x1df: {  	[tilespmem:s0+$0x800] =	vst v2;
	v2 =	vmov s29  }
0x1e0: {  	v1 =	vld.idx.msk [tilespmem:v1+s15+$0x0], $0xffff;
	v2 =	vshll.u32 v2, $0x3  }
0x1e1: {  	v2 =	vor.u32 v0, v2;
	_ =	sdelay $0x3  }
0x1e2: {  	[tilespmem:s0+$0xA00] =	vst v1  }
0x1e3: {  	v1 =	vld.idx.msk [tilespmem:v2+s15+$0x0], $0xffff  }
0x1e4: {  	v3 =	vor.u32 $0x1, v2;
	_ =	sdelay $0x2  }
0x1e5: {  	s29 =	simm.s32 $0x5580  }
0x1e6: {  	[tilespmem:s29+$0xFFFFF400] =	vst v1  }
0x1e7: {  	v1 =	vld.idx.msk [tilespmem:v3+s15+$0x0], $0xffff  }
0x1e8: {  	v2 =	vor.u32 $0x2, v2;
	_ =	sdelay $0x2  }
0x1e9: {  	s0 =	simm.s32 $0x380  }
0x1ea: {  	[tilespmem:s29+$0xFFFFF600] =	vst v1;
	v1 =	vmov s0  }
0x1eb: {  	v2 =	vld.idx.msk [tilespmem:v2+s15+$0x0], $0xffff;
	v1 =	vshll.u32 v1, $0x3  }
0x1ec: {  	v1 =	vor.u32 v0, v1;
	_ =	sdelay $0x3  }
0x1ed: {  	[tilespmem:s29+$0xFFFFF800] =	vst v2  }
0x1ee: {  	v2 =	vld.idx.msk [tilespmem:v1+s15+$0x0], $0xffff  }
0x1ef: {  	v3 =	vor.u32 $0x1, v1;
	_ =	sdelay $0x3  }
0x1f0: {  	[tilespmem:s29+$0xFFFFFA00] =	vst v2  }
0x1f1: {  	v2 =	vld.idx.msk [tilespmem:v3+s15+$0x0], $0xffff  }
0x1f2: {  	v1 =	vor.u32 $0x2, v1;
	_ =	sdelay $0x2  }
0x1f3: {  	s0 =	simm.s32 $0x580  }
0x1f4: {  	[tilespmem:s29+$0xFFFFFC00] =	vst v2;
	v2 =	vmov s0  }
0x1f5: {  	v1 =	vld.idx.msk [tilespmem:v1+s15+$0x0], $0xffff;
	v2 =	vshll.u32 v2, $0x3  }
0x1f6: {  	v2 =	vor.u32 v0, v2;
	_ =	sdelay $0x3  }
0x1f7: {  	[tilespmem:s29+$0xFFFFFE00] =	vst v1  }
0x1f8: {  	v1 =	vld.idx.msk [tilespmem:v2+s15+$0x0], $0xffff  }
0x1f9: {  	v3 =	vor.u32 $0x1, v2;
	_ =	sdelay $0x3  }
0x1fa: {  	[tilespmem:s29+$0x0] =	vst v1  }
0x1fb: {  	v1 =	vld.idx.msk [tilespmem:v3+s15+$0x0], $0xffff  }
0x1fc: {  	v2 =	vor.u32 $0x2, v2;
	_ =	sdelay $0x2  }
0x1fd: {  	s0 =	simm.s32 $0x780  }
0x1fe: {  	[tilespmem:s29+$0x200] =	vst v1;
	v1 =	vmov s0  }
0x1ff: {  	v2 =	vld.idx.msk [tilespmem:v2+s15+$0x0], $0xffff;
	v1 =	vshll.u32 v1, $0x3  }
0x200: {  	v1 =	vor.u32 v0, v1;
	_ =	sdelay $0x3  }
0x201: {  	[tilespmem:s29+$0x400] =	vst v2  }
0x202: {  	v2 =	vld.idx.msk [tilespmem:v1+s15+$0x0], $0xffff  }
0x203: {  	v3 =	vor.u32 $0x1, v1;
	_ =	sdelay $0x3  }
0x204: {  	[tilespmem:s29+$0x600] =	vst v2  }
0x205: {  	v2 =	vld.idx.msk [tilespmem:v3+s15+$0x0], $0xffff  }
0x206: {  	v1 =	vor.u32 $0x2, v1;
	_ =	sdelay $0x3  }
0x207: {  	s31 =	simm.s32 $0x3A0;
	s30 =	simm.s32 $0x390;
	s0 =	simm.s32 $0x190;
	[tilespmem:s29+$0x800] =	vst v2  }
.LBB2_8:
0x208: {  	p0 =	sne.s32 s31, $0x3F0;
	v2 =	vmov s0;
	v1 =	vld.idx.msk [tilespmem:v1+s15+$0x0], $0xffff  }
0x209: {  	v2 =	vshll.u32 v2, $0x3  }
0x20a: {  	v2 =	vor.u32 v0, v2;
	_ =	sdelay $0x3  }
0x20b: {  	[tilespmem:s29+$0xA00] =	vst v1  }
0x20c: {  	v1 =	vld.idx.msk [tilespmem:v2+s15+$0x0], $0xffff;
	_ =	sdelay $0x1  }
0x20d: {  	v3 =	vor.u32 $0x1, v2;
	_ =	sdelay $0x2  }
0x20e: {  	s29 =	sadd.s32 $0x10, s29  }
0x20f: {  	[tilespmem:s29+$0xFFFFF400] =	vst v1  }
0x210: {  	v1 =	vld.idx.msk [tilespmem:v3+s15+$0x0], $0xffff;
	_ =	sdelay $0x1  }
0x211: {  	v2 =	vor.u32 $0x2, v2;
	_ =	sdelay $0x3  }
0x212: {  	[tilespmem:s29+$0xFFFFF600] =	vst v1  }
0x213: {  	v1 =	vld.idx.msk [tilespmem:v2+s15+$0x0], $0xffff;
	v2 =	vmov s30  }
0x214: {  	v2 =	vshll.u32 v2, $0x3  }
0x215: {  	v2 =	vor.u32 v0, v2;
	_ =	sdelay $0x3  }
0x216: {  	[tilespmem:s29+$0xFFFFF800] =	vst v1  }
0x217: {  	v1 =	vld.idx.msk [tilespmem:v2+s15+$0x0], $0xffff;
	_ =	sdelay $0x1  }
0x218: {  	v3 =	vor.u32 $0x1, v2;
	_ =	sdelay $0x3  }
0x219: {  	[tilespmem:s29+$0xFFFFFA00] =	vst v1  }
0x21a: {  	v1 =	vld.idx.msk [tilespmem:v3+s15+$0x0], $0xffff;
	_ =	sdelay $0x1  }
0x21b: {  	v2 =	vor.u32 $0x2, v2;
	_ =	sdelay $0x3  }
0x21c: {  	s0 =	sadd.s32 $0x200, s30;
	[tilespmem:s29+$0xFFFFFC00] =	vst v1  }
0x21d: {  	v1 =	vld.idx.msk [tilespmem:v2+s15+$0x0], $0xffff;
	v2 =	vmov s0  }
0x21e: {  	v2 =	vshll.u32 v2, $0x3  }
0x21f: {  	v2 =	vor.u32 v0, v2;
	_ =	sdelay $0x3  }
0x220: {  	[tilespmem:s29+$0xFFFFFE00] =	vst v1  }
0x221: {  	v1 =	vld.idx.msk [tilespmem:v2+s15+$0x0], $0xffff;
	_ =	sdelay $0x1  }
0x222: {  	v3 =	vor.u32 $0x1, v2;
	_ =	sdelay $0x3  }
0x223: {  	[tilespmem:s29+$0x0] =	vst v1  }
0x224: {  	v1 =	vld.idx.msk [tilespmem:v3+s15+$0x0], $0xffff;
	_ =	sdelay $0x1  }
0x225: {  	v2 =	vor.u32 $0x2, v2;
	_ =	sdelay $0x3  }
0x226: {  	s0 =	sadd.s32 $0x400, s30;
	s30 =	smov.u32 s31;
	[tilespmem:s29+$0x200] =	vst v1  }
0x227: {  	v1 =	vld.idx.msk [tilespmem:v2+s15+$0x0], $0xffff;
	v2 =	vmov s0  }
0x228: {  	v2 =	vshll.u32 v2, $0x3  }
0x229: {  	v2 =	vor.u32 v0, v2;
	_ =	sdelay $0x3  }
0x22a: {  	[tilespmem:s29+$0x400] =	vst v1  }
0x22b: {  	v1 =	vld.idx.msk [tilespmem:v2+s15+$0x0], $0xffff;
	_ =	sdelay $0x1  }
0x22c: {  	v3 =	vor.u32 $0x1, v2;
	_ =	sdelay $0x3  }
0x22d: {  	[tilespmem:s29+$0x600] =	vst v1  }
0x22e: {  	v3 =	vld.idx.msk [tilespmem:v3+s15+$0x0], $0xffff;
	_ =	sdelay $0x1  }
.Ltmp3:
0x22f: {  	v1 =	vor.u32 $0x2, v2;
	(pc) =	sbr.rel @p0 .LBB2_8-.Ltmp3, $2  }
0x230: {  	_ =	sdelay $0x2  }
0x231: {  	s31 =	sadd.s32 $0x10, s31;
	s0 =	sadd.s32 $0xFFFFFE00, s30;
	[tilespmem:s29+$0x800] =	vst v3  }
0x232: {  	_ =	sdelay $0x2  }
0x233: {  	v2 =	vmov s0  }
0x234: {  	v1 =	vld.idx.msk [tilespmem:v1+s15+$0x0], $0xffff;
	v2 =	vshll.u32 v2, $0x3  }
0x235: {  	v2 =	vor.u32 v0, v2;
	_ =	sdelay $0x3  }
0x236: {  	[tilespmem:s29+$0xA00] =	vst v1  }
0x237: {  	v1 =	vld.idx.msk [tilespmem:v2+s15+$0x0], $0xffff  }
0x238: {  	v3 =	vor.u32 $0x1, v2;
	_ =	sdelay $0x2  }
0x239: {  	s0 =	sadd.s32 $0x10, s29  }
0x23a: {  	[tilespmem:s0+$0xFFFFF400] =	vst v1  }
0x23b: {  	v1 =	vld.idx.msk [tilespmem:v3+s15+$0x0], $0xffff  }
0x23c: {  	v2 =	vor.u32 $0x2, v2;
	_ =	sdelay $0x3  }
0x23d: {  	[tilespmem:s0+$0xFFFFF600] =	vst v1;
	v1 =	vmov s30  }
0x23e: {  	v2 =	vld.idx.msk [tilespmem:v2+s15+$0x0], $0xffff;
	v1 =	vshll.u32 v1, $0x3  }
0x23f: {  	v1 =	vor.u32 v0, v1;
	_ =	sdelay $0x3  }
0x240: {  	[tilespmem:s0+$0xFFFFF800] =	vst v2  }
0x241: {  	v2 =	vld.idx.msk [tilespmem:v1+s15+$0x0], $0xffff  }
0x242: {  	v3 =	vor.u32 $0x1, v1;
	_ =	sdelay $0x3  }
0x243: {  	[tilespmem:s0+$0xFFFFFA00] =	vst v2  }
0x244: {  	v2 =	vld.idx.msk [tilespmem:v3+s15+$0x0], $0xffff  }
0x245: {  	v1 =	vor.u32 $0x2, v1;
	_ =	sdelay $0x2  }
0x246: {  	s31 =	sadd.s32 $0x200, s30  }
0x247: {  	[tilespmem:s0+$0xFFFFFC00] =	vst v2;
	v2 =	vmov s31  }
0x248: {  	v1 =	vld.idx.msk [tilespmem:v1+s15+$0x0], $0xffff;
	v2 =	vshll.u32 v2, $0x3  }
0x249: {  	v2 =	vor.u32 v0, v2;
	_ =	sdelay $0x3  }
0x24a: {  	[tilespmem:s0+$0xFFFFFE00] =	vst v1  }
0x24b: {  	v1 =	vld.idx.msk [tilespmem:v2+s15+$0x0], $0xffff  }
0x24c: {  	v3 =	vor.u32 $0x1, v2;
	_ =	sdelay $0x3  }
0x24d: {  	[tilespmem:s0+$0x0] =	vst v1  }
0x24e: {  	v1 =	vld.idx.msk [tilespmem:v3+s15+$0x0], $0xffff  }
0x24f: {  	v2 =	vor.u32 $0x2, v2;
	_ =	sdelay $0x2  }
0x250: {  	s31 =	sadd.s32 $0x400, s30  }
0x251: {  	[tilespmem:s0+$0x200] =	vst v1;
	v1 =	vmov s31  }
0x252: {  	v2 =	vld.idx.msk [tilespmem:v2+s15+$0x0], $0xffff;
	v1 =	vshll.u32 v1, $0x3  }
0x253: {  	v1 =	vor.u32 v0, v1;
	_ =	sdelay $0x3  }
0x254: {  	[tilespmem:s0+$0x400] =	vst v2  }
0x255: {  	v2 =	vld.idx.msk [tilespmem:v1+s15+$0x0], $0xffff  }
0x256: {  	v3 =	vor.u32 $0x1, v1;
	_ =	sdelay $0x3  }
0x257: {  	[tilespmem:s0+$0x600] =	vst v2  }
0x258: {  	v2 =	vld.idx.msk [tilespmem:v3+s15+$0x0], $0xffff  }
0x259: {  	v1 =	vor.u32 $0x2, v1;
	_ =	sdelay $0x3  }
0x25a: {  	[tilespmem:s0+$0x800] =	vst v2  }
0x25b: {  	v1 =	vld.idx.msk [tilespmem:v1+s15+$0x0], $0xffff;
	_ =	sdelay $0x2  }
0x25c: {  	s28 =	sadd.s32 $0x1, s28  }
0x25d: {  	p0 =	sne.s32 s28, s9  }
.Ltmp4:
0x25e: {  	[tilespmem:s0+$0xA00] =	vst v1;
	(pc) =	sbr.rel @p0 .LBB2_1-.Ltmp4, $4  }
0x25f: {  	[hbm4b:s8+s11] =	stream.strided.scatter [tilespmem:s26], [sflag:$0x2], $0x1800, s22, s11, $0x38;
	[tilespmem:$0x6000] =	vst v63  }
0x260: {  	_ =	swait.ge [sflag:s10], $0x1800  }
0x261: {  	[sflag:s10] =	ssyncset.done $0x0  }
0x262: {  	[sflag:s10] =	ssyncadd.s32 $0xFFFFE800  }
0x263: {  	_ =	sfence.sel $0x180000  }
0x264: {  	[bflag:$0x0] =	sbarrier.arrive $0xFFFF  }
0x265: {  	_ =	strace $0x90000047  }
0x266: {  	s0 =	stileid.u32;
	[bflag:$0x2] =	sbarrier.arrive $0xFFFF  }
0x267: {  	p0 =	sne.s32 s0, $0x0;
	s0 =	rddreg [dreg:$0x1]  }
0x268: {  	s0 =	sadd.s32 @!p0 $0x100000, s0  }
0x269: {  	[sflag:s0] =	ssyncadd.tile.s32 @!p0 $0x1;
	_ =	shalt  }
.Lfunc_end2:
_tile_overlayer_lowered:
.L_overlay_start_2:
0x26a: {  	(tag) =	ssettag $0x2  }
0x26b: {  	s0 =	rddreg [dreg:$0x0];
	s2 =	stileid.u32  }
0x26c: {  	s1 =	rddreg [dreg:$0x1];
	p0 =	sne.s32 s2, $0x0  }
0x26d: {  	s3 =	rddreg [dreg:$0x2];
	[bflag:$0x3] =	sbarrier.arrive $0xFFFF;
	s2 =	simm.s32 @!p0 $0x1C02  }
0x26e: {  	[timem:s3], [sflag:s2] =	dma.local @!p0 [hbm:s0], s1  }
0x26f: {  	s0 =	simm.s32 @!p0 $0x2  }
0x270: {  	_ =	swait.ge @!p0 [sflag:s0], s1  }
0x271: {  	s1 =	ssub.s32 @!p0 $0x0, s1;
	[sflag:s0] =	ssyncset.done @!p0 $0x0  }
0x272: {  	[sflag:s0] =	ssyncadd.s32 @!p0 s1  }
0x273: {  	[bflag:$0x3] =	sbarrier.arrive $0xFFFF  }
0x274: {  	_ =	shalt  }

</sc_bundles>
